<compile_context>
chip_gen: v7x
topology: tpu7x:2x2x1
jax: 0.10.2.dev20260603
libtpu: 0.0.44.dev20260713+nightly
codegen_flags: <defaults>
</compile_context>

<pallas_src>
import functools

import jax
import jax.numpy as jnp
from jax import lax
from jax.experimental import pallas as pl
from jax.experimental.pallas import tpu as pltpu
from jax.experimental.pallas import tpu_sc as plsc

N_NODES = 10000
N_EDGES = 320000
D = 128

NC = 2
NS = 16
NW = NC * NS
F_PER = D // NW
SEG = F_PER * N_NODES
CHUNK = 1600
NB = CHUNK // 16
NB2 = NB // 2
NCHUNKS = N_EDGES // CHUNK
SLOT = CHUNK + 32


def _mm1_body(w_ref, x_ref, b_ref, o_ref):
    acc = lax.dot_general(w_ref[...], x_ref[...], (((1,), (1,)), ((), ())),
                          preferred_element_type=jnp.float32)
    o_ref[...] = jnp.maximum(acc + b_ref[...], 0.0)


def _mm2_body(a_ref, w_ref, b_ref, o_ref):
    acc = lax.dot_general(a_ref[...], w_ref[...], (((0,), (1,)), ((), ())),
                          preferred_element_type=jnp.float32)
    o_ref[...] = acc + b_ref[...]


def _segmax_body(h_hbm, s_hbm, r_hbm, out_hbm, h_v,
                 accA0, accA1, accA2, accA3, accB0, accB1, accB2, accB3,
                 s_buf, r_buf, sem_s0, sem_s1, sem_r0, sem_r1):
    accsA = (accA0, accA1, accA2, accA3)
    accsB = (accB0, accB1, accB2, accB3)
    sem_s = (sem_s0, sem_s1)
    sem_r = (sem_r0, sem_r1)
    wid = lax.axis_index("s") * NC + lax.axis_index("c")
    base = wid * SEG
    pltpu.sync_copy(h_hbm.at[pl.ds(base, SEG)], h_v)

    lanes = lax.iota(jnp.int32, 16)
    probe = jnp.where(lanes < 3, 0, lanes)
    counts_probe, _ = plsc.scan_count(probe)
    thresh3 = jnp.max(counts_probe)

    def zero_body(i, c):
        for f in range(F_PER):
            accsA[f][pl.ds(i * 16, 16)] = jnp.zeros((16,), jnp.float32)
            accsB[f][pl.ds(i * 16, 16)] = jnp.zeros((16,), jnp.float32)
        return c
    lax.fori_loop(0, N_NODES // 16, zero_body, 0)
    for so in (0, SLOT):
        for t in (0, 16):
            s_buf[pl.ds(so + CHUNK + t, 16)] = jnp.zeros((16,), jnp.int32)
            r_buf[pl.ds(so + CHUNK + t, 16)] = jnp.zeros((16,), jnp.int32)

    def start_chunk(g, slot):
        pltpu.async_copy(s_hbm.at[pl.ds(g * CHUNK, CHUNK)],
                         s_buf.at[pl.ds(slot * SLOT, CHUNK)], sem_s[slot])
        pltpu.async_copy(r_hbm.at[pl.ds(g * CHUNK, CHUNK)],
                         r_buf.at[pl.ds(slot * SLOT, CHUNK)], sem_r[slot])

    def wait_chunk(g, slot):
        pltpu.make_async_copy(
            s_hbm.at[pl.ds(g * CHUNK, CHUNK)],
            s_buf.at[pl.ds(slot * SLOT, CHUNK)], sem_s[slot]).wait()
        pltpu.make_async_copy(
            r_hbm.at[pl.ds(g * CHUNK, CHUNK)],
            r_buf.at[pl.ds(slot * SLOT, CHUNK)], sem_r[slot]).wait()

    def rmw_batch(accs, r16, hvs, unresolved):
        curs = [plsc.load_gather(accs[f], [r16]) for f in range(F_PER)]
        news = [jnp.maximum(curs[f], hvs[f]) for f in range(F_PER)]
        for f in range(F_PER):
            plsc.store_scatter(accs[f], [r16], news[f])
        pends = []
        for f in range(F_PER):
            chk = plsc.load_gather(accs[f], [r16])
            pends.append(chk < news[f])
        for f in range(F_PER):
            plsc.store_scatter(accs[f], [r16], news[f], mask=pends[f])
        counts, _ = plsc.scan_count(r16)
        return unresolved | (counts >= thresh3)

    def process_chunk(so):
        def fast_pair(b2, carry):
            sA, rA, hvA, sB, rB, hvB, unresolved = carry
            nb = so + (b2 + 1) * 32
            sA_n = s_buf[pl.ds(nb, 16)]
            rA_n = r_buf[pl.ds(nb, 16)]
            sB_n = s_buf[pl.ds(nb + 16, 16)]
            rB_n = r_buf[pl.ds(nb + 16, 16)]
            hvA_n = tuple(plsc.load_gather(h_v, [sA_n + (f * N_NODES)])
                          for f in range(F_PER))
            hvB_n = tuple(plsc.load_gather(h_v, [sB_n + (f * N_NODES)])
                          for f in range(F_PER))
            unresolved = rmw_batch(accsA, rA, hvA, unresolved)
            unresolved = rmw_batch(accsB, rB, hvB, unresolved)
            return (sA_n, rA_n, hvA_n, sB_n, rB_n, hvB_n, unresolved)

        sA0 = s_buf[pl.ds(so, 16)]
        rA0 = r_buf[pl.ds(so, 16)]
        sB0 = s_buf[pl.ds(so + 16, 16)]
        rB0 = r_buf[pl.ds(so + 16, 16)]
        hvA0 = tuple(plsc.load_gather(h_v, [sA0 + (f * N_NODES)])
                     for f in range(F_PER))
        hvB0 = tuple(plsc.load_gather(h_v, [sB0 + (f * N_NODES)])
                     for f in range(F_PER))
        carry = (sA0, rA0, hvA0, sB0, rB0, hvB0,
                 jnp.zeros((16,), jnp.bool_))
        carry = lax.fori_loop(0, NB2, fast_pair, carry, unroll=2)
        unresolved = carry[6]

        @pl.when(jnp.any(unresolved))
        def _slow():
            for parity, accs in ((0, accsA), (1, accsB)):
                def slow_batch(b2, c2, parity=parity, accs=accs):
                    off = so + b2 * 32 + parity * 16
                    s16 = s_buf[pl.ds(off, 16)]
                    r16 = r_buf[pl.ds(off, 16)]
                    news, pends = [], []
                    for f in range(F_PER):
                        hv = plsc.load_gather(h_v, [s16 + (f * N_NODES)])
                        cur = plsc.load_gather(accs[f], [r16])
                        nw = jnp.maximum(cur, hv)
                        plsc.store_scatter(accs[f], [r16], nw)
                        chk = plsc.load_gather(accs[f], [r16])
                        news.append(nw)
                        pends.append(chk < nw)

                    def cond(ps):
                        return jnp.any(ps[0] | ps[1] | ps[2] | ps[3])

                    def retry(ps):
                        out_ps = []
                        for f in range(F_PER):
                            plsc.store_scatter(accs[f], [r16], news[f],
                                               mask=ps[f])
                            chk = plsc.load_gather(accs[f], [r16])
                            out_ps.append(ps[f] & (chk < news[f]))
                        return tuple(out_ps)

                    lax.while_loop(cond, retry, tuple(pends))
                    return c2
                lax.fori_loop(0, NB2, slow_batch, 0)

    start_chunk(0, 0)
    start_chunk(1, 1)

    def super_body(gs, c):
        for slot in (0, 1):
            g = gs * 2 + slot
            wait_chunk(g, slot)
            process_chunk(slot * SLOT)

            @pl.when(g + 2 < NCHUNKS)
            def _():
                start_chunk(g + 2, slot)
        return c
    lax.fori_loop(0, NCHUNKS // 2, super_body, 0)

    def merge_body(i, c):
        for f in range(F_PER):
            a = accsA[f][pl.ds(i * 16, 16)]
            b = accsB[f][pl.ds(i * 16, 16)]
            accsA[f][pl.ds(i * 16, 16)] = jnp.maximum(a, b)
        return c
    lax.fori_loop(0, N_NODES // 16, merge_body, 0)

    for f in range(F_PER):
        pltpu.sync_copy(accsA[f],
                        out_hbm.at[pl.ds(base + f * N_NODES, N_NODES)])


_segmax = functools.partial(
    pl.kernel,
    mesh=plsc.VectorSubcoreMesh(core_axis_name="c", subcore_axis_name="s",
                                num_cores=NC, num_subcores=NS),
    out_type=jax.ShapeDtypeStruct((D * N_NODES,), jnp.float32),
    compiler_params=pltpu.CompilerParams(needs_layout_passes=False),
    scratch_types=[
        pltpu.VMEM((SEG,), jnp.float32),
        pltpu.VMEM((N_NODES,), jnp.float32),
        pltpu.VMEM((N_NODES,), jnp.float32),
        pltpu.VMEM((N_NODES,), jnp.float32),
        pltpu.VMEM((N_NODES,), jnp.float32),
        pltpu.VMEM((N_NODES,), jnp.float32),
        pltpu.VMEM((N_NODES,), jnp.float32),
        pltpu.VMEM((N_NODES,), jnp.float32),
        pltpu.VMEM((N_NODES,), jnp.float32),
        pltpu.VMEM((2 * SLOT,), jnp.int32),
        pltpu.VMEM((2 * SLOT,), jnp.int32),
        pltpu.SemaphoreType.DMA,
        pltpu.SemaphoreType.DMA,
        pltpu.SemaphoreType.DMA,
        pltpu.SemaphoreType.DMA,
    ],
)(_segmax_body)


def kernel(node_features, senders, receivers, W1, b1, W2, b2):
    h_T = pl.pallas_call(
        _mm1_body,
        out_shape=jax.ShapeDtypeStruct((D, N_NODES), jnp.float32),
    )(W1, node_features, b1.reshape(D, 1))

    agg_flat = _segmax(h_T.reshape(-1),
                       senders.astype(jnp.int32),
                       receivers.astype(jnp.int32))

    nodes = pl.pallas_call(
        _mm2_body,
        out_shape=jax.ShapeDtypeStruct((N_NODES, D), jnp.float32),
    )(agg_flat.reshape(D, N_NODES), W2, b2.reshape(1, D))
    return nodes

# --- scband reference (transcript-rebuilt; emitter-appended) ---
"""Pipeline reference for scband-sub-minimal-gn-55688545960169 (READ-ONLY COPY).

The authoritative reference and input builder live on the scoring server;
editing this copy changes nothing except your own understanding.
"""

import jax, jax.numpy as jnp
import numpy as np

N_NODES = 10000
N_EDGES = 320000
D_IN = 128
D_EDGE = 128
D_OUT = 128


def setup_inputs(seed: int = 0) -> dict:
    key = jax.random.key(seed)
    ks = jax.random.split(key, 8)
    x = jax.random.normal(ks[0], (N_NODES, D_IN), dtype=jnp.float32)
    senders = jax.random.randint(ks[1], (N_EDGES,), 0, N_NODES)
    receivers = jax.random.randint(ks[2], (N_EDGES,), 0, N_NODES)
    # f_s: Linear(D_IN -> D_EDGE)
    W1 = jax.random.normal(ks[3], (D_EDGE, D_IN), dtype=jnp.float32) * (1.0 / np.sqrt(D_IN))
    b1 = jax.random.normal(ks[4], (D_EDGE,), dtype=jnp.float32) * 0.01
    # g_in: Linear(D_EDGE -> D_OUT)
    W2 = jax.random.normal(ks[5], (D_OUT, D_EDGE), dtype=jnp.float32) * (1.0 / np.sqrt(D_EDGE))
    b2 = jax.random.normal(ks[6], (D_OUT,), dtype=jnp.float32) * 0.01
    return {"node_features": x, "senders": senders, "receivers": receivers,
            "W1": W1, "b1": b1, "W2": W2, "b2": b2}


def reference(node_features, senders, receivers, W1, b1, W2, b2):
    num_nodes = node_features.shape[0]
    # edges = relu(f_s(node_features)).index_select(0, senders)
    h = jax.nn.relu(node_features @ W1.T + b1)
    edges = jnp.take(h, senders, axis=0)
    # scatter_max over receivers; torch_scatter fills empty segments with 0
    seg = jax.ops.segment_max(edges, receivers, num_segments=num_nodes)
    counts = jax.ops.segment_sum(jnp.ones((edges.shape[0],), dtype=jnp.int32), receivers, num_segments=num_nodes)
    agg = jnp.where((counts > 0)[:, None], seg, jnp.zeros_like(seg))
    nodes = agg @ W2.T + b2
    return nodes

if __name__ == "__main__":
    import jax
    _d = setup_inputs()
    print(jax.jit(kernel)(*tuple(_d.values())))

</pallas_src>

<mosaic_0001>
#map = affine_map<(d0, d1) -> (0)>
module attributes {stable_mosaic.version = 14 : i64} {
  func.func @_segmax_body(%arg0: i32, %arg1: i32, %arg2: memref<1280000xf32, #tpu.memory_space<hbm>>, %arg3: memref<320000xi32, #tpu.memory_space<hbm>>, %arg4: memref<320000xi32, #tpu.memory_space<hbm>>, %arg5: memref<1280000xf32, #tpu.memory_space<hbm>>, %arg6: memref<40000xf32, #tpu.memory_space<vmem>>, %arg7: memref<10000xf32, #tpu.memory_space<vmem>>, %arg8: memref<10000xf32, #tpu.memory_space<vmem>>, %arg9: memref<10000xf32, #tpu.memory_space<vmem>>, %arg10: memref<10000xf32, #tpu.memory_space<vmem>>, %arg11: memref<10000xf32, #tpu.memory_space<vmem>>, %arg12: memref<10000xf32, #tpu.memory_space<vmem>>, %arg13: memref<10000xf32, #tpu.memory_space<vmem>>, %arg14: memref<10000xf32, #tpu.memory_space<vmem>>, %arg15: memref<3264xi32, #tpu.memory_space<vmem>>, %arg16: memref<3264xi32, #tpu.memory_space<vmem>>, %arg17: memref<!tpu.dma_semaphore, #tpu.memory_space<semaphore_mem>>, %arg18: memref<!tpu.dma_semaphore, #tpu.memory_space<semaphore_mem>>, %arg19: memref<!tpu.dma_semaphore, #tpu.memory_space<semaphore_mem>>, %arg20: memref<!tpu.dma_semaphore, #tpu.memory_space<semaphore_mem>>) attributes {dimension_semantics = [#tpu.dimension_semantics<core_parallel>, #tpu.dimension_semantics<subcore_parallel>], iteration_bounds = array<i64: 2, 16>, scalar_prefetch = 0 : i64, scratch_operands = 15 : i64, tpu.core_type = #tpu.core_type<sc_vector_subcore>, window_params = [{transform_indices = #map}, {transform_indices = #map}, {transform_indices = #map}, {transform_indices = #map}]} {
    %mul3A = arith.constant 2 : i32
    %mul3A_0 = arith.muli %arg1, %mul3A : i32
    %add3A = arith.addi %mul3A_0, %arg0 : i32
    %mul3A_1 = arith.constant 40000 : i32
    %mul3A_2 = arith.muli %add3A, %mul3A_1 : i32
    "tpu.region"() ({
      %run_scoped3A = tpu.sem_alloc : memref<!tpu.dma_semaphore, #tpu.memory_space<semaphore_mem>>
      %dma_start3A_102 = tpu.memref_slice %arg2[%mul3A_2] : memref<1280000xf32, #tpu.memory_space<hbm>> -> memref<40000xf32, #tpu.memory_space<hbm>>
      %dma_start3A_103 = tpu.memref_slice %arg2[%mul3A_2] : memref<1280000xf32, #tpu.memory_space<hbm>> -> memref<40000xf32, #tpu.memory_space<hbm>>
      tpu.enqueue_dma source(%dma_start3A_103 : memref<40000xf32, #tpu.memory_space<hbm>>) target(%arg6 : memref<40000xf32, #tpu.memory_space<vmem>>) target_semaphore(%run_scoped3A : memref<!tpu.dma_semaphore, #tpu.memory_space<semaphore_mem>>)
      %dma_wait3A = tpu.memref_slice %arg2[%mul3A_2] : memref<1280000xf32, #tpu.memory_space<hbm>> -> memref<40000xf32, #tpu.memory_space<hbm>>
      %dma_wait3A_104 = tpu.memref_slice %arg2[%mul3A_2] : memref<1280000xf32, #tpu.memory_space<hbm>> -> memref<40000xf32, #tpu.memory_space<hbm>>
      tpu.wait_dma2 semaphore(%run_scoped3A : memref<!tpu.dma_semaphore, #tpu.memory_space<semaphore_mem>>) src(%dma_wait3A_104 : memref<40000xf32, #tpu.memory_space<hbm>>) dst(%arg6 : memref<40000xf32, #tpu.memory_space<vmem>>)
      tpu.yield
    }) : () -> ()
    %iota3A = tpu.iota {dimensions = array<i32: 0>} : vector<16xi32>
    %lt3A = arith.constant 3 : i32
    %lt3A_3 = vector.broadcast %lt3A : i32 to vector<16xi32>
    %lt3A_4 = arith.cmpi slt, %iota3A, %lt3A_3 : vector<16xi32>
    %jit3A = arith.constant 0 : i32
    %broadcast_in_dim3A = vector.broadcast %jit3A : i32 to vector<16xi32>
    %select_n3A = arith.select %lt3A_4, %broadcast_in_dim3A, %iota3A : vector<16xi1>, vector<16xi32>
    %broadcast_in_dim3A_5 = arith.constant true
    %broadcast_in_dim3A_6 = vector.broadcast %broadcast_in_dim3A_5 : i1 to vector<16xi1>
    %unique3A, %unique3A_7 = tpu.scan_count mask(%broadcast_in_dim3A_6 : vector<16xi1>) value(%select_n3A : vector<16xi32>) : vector<16xi1>, vector<16xi32>
    %reduce_max3A = arith.constant true
    %reduce_max3A_8 = vector.broadcast %reduce_max3A : i1 to vector<16xi1>
    %reduce_max3A_9 = arith.constant -2147483648 : i32
    %reduce_max3A_10 = vector.broadcast %reduce_max3A_9 : i32 to vector<16xi32>
    %reduce_max3A_11 = arith.xori %unique3A_7, %reduce_max3A_10 : vector<16xi32>
    %reduce_max3A_12 = tpu.scan <max>, %reduce_max3A_11 masked %reduce_max3A_8 : vector<16xi32>, vector<16xi1> -> vector<16xi32>
    %reduce_max3A_13 = arith.xori %reduce_max3A_12, %reduce_max3A_10 : vector<16xi32>
    %reduce_max3A_14 = vector.extract %reduce_max3A_13[15] : i32 from vector<16xi32>
    %scan3A = arith.constant 0 : i32
    %scan3A_15 = arith.constant 0 : i32
    %scan3A_16 = arith.constant 625 : i32
    %scan3A_17 = arith.addi %scan3A_15, %scan3A_16 : i32
    %scan3A_18 = arith.constant 1 : i32
    scf.for %scan3A_102 = %scan3A_15 to %scan3A_17 step %scan3A_18  : i32 {
      %broadcast_in_dim3A_103 = arith.constant 0.000000e+00 : f32
      %broadcast_in_dim3A_104 = vector.broadcast %broadcast_in_dim3A_103 : f32 to vector<16xf32>
      %mul3A_105 = arith.constant 16 : i32
      %mul3A_106 = arith.muli %scan3A_102, %mul3A_105 : i32
      %swap3A_107 = arith.index_cast %mul3A_106 : i32 to index
      %swap3A_108 = tpu.vector_load %arg7[%swap3A_107] {strides = array<i32>} : memref<10000xf32, #tpu.memory_space<vmem>>, vector<16xf32>,
      tpu.vector_store %arg7[%swap3A_107], %broadcast_in_dim3A_104 {strides = array<i32>} : memref<10000xf32, #tpu.memory_space<vmem>>, vector<16xf32>,
      %broadcast_in_dim3A_109 = arith.constant 0.000000e+00 : f32
      %broadcast_in_dim3A_110 = vector.broadcast %broadcast_in_dim3A_109 : f32 to vector<16xf32>
      %mul3A_111 = arith.constant 16 : i32
      %mul3A_112 = arith.muli %scan3A_102, %mul3A_111 : i32
      %swap3A_113 = arith.index_cast %mul3A_112 : i32 to index
      %swap3A_114 = tpu.vector_load %arg11[%swap3A_113] {strides = array<i32>} : memref<10000xf32, #tpu.memory_space<vmem>>, vector<16xf32>,
      tpu.vector_store %arg11[%swap3A_113], %broadcast_in_dim3A_110 {strides = array<i32>} : memref<10000xf32, #tpu.memory_space<vmem>>, vector<16xf32>,
      %broadcast_in_dim3A_115 = arith.constant 0.000000e+00 : f32
      %broadcast_in_dim3A_116 = vector.broadcast %broadcast_in_dim3A_115 : f32 to vector<16xf32>
      %mul3A_117 = arith.constant 16 : i32
      %mul3A_118 = arith.muli %scan3A_102, %mul3A_117 : i32
      %swap3A_119 = arith.index_cast %mul3A_118 : i32 to index
      %swap3A_120 = tpu.vector_load %arg8[%swap3A_119] {strides = array<i32>} : memref<10000xf32, #tpu.memory_space<vmem>>, vector<16xf32>,
      tpu.vector_store %arg8[%swap3A_119], %broadcast_in_dim3A_116 {strides = array<i32>} : memref<10000xf32, #tpu.memory_space<vmem>>, vector<16xf32>,
      %broadcast_in_dim3A_121 = arith.constant 0.000000e+00 : f32
      %broadcast_in_dim3A_122 = vector.broadcast %broadcast_in_dim3A_121 : f32 to vector<16xf32>
      %mul3A_123 = arith.constant 16 : i32
      %mul3A_124 = arith.muli %scan3A_102, %mul3A_123 : i32
      %swap3A_125 = arith.index_cast %mul3A_124 : i32 to index
      %swap3A_126 = tpu.vector_load %arg12[%swap3A_125] {strides = array<i32>} : memref<10000xf32, #tpu.memory_space<vmem>>, vector<16xf32>,
      tpu.vector_store %arg12[%swap3A_125], %broadcast_in_dim3A_122 {strides = array<i32>} : memref<10000xf32, #tpu.memory_space<vmem>>, vector<16xf32>,
      %broadcast_in_dim3A_127 = arith.constant 0.000000e+00 : f32
      %broadcast_in_dim3A_128 = vector.broadcast %broadcast_in_dim3A_127 : f32 to vector<16xf32>
      %mul3A_129 = arith.constant 16 : i32
      %mul3A_130 = arith.muli %scan3A_102, %mul3A_129 : i32
      %swap3A_131 = arith.index_cast %mul3A_130 : i32 to index
      %swap3A_132 = tpu.vector_load %arg9[%swap3A_131] {strides = array<i32>} : memref<10000xf32, #tpu.memory_space<vmem>>, vector<16xf32>,
      tpu.vector_store %arg9[%swap3A_131], %broadcast_in_dim3A_128 {strides = array<i32>} : memref<10000xf32, #tpu.memory_space<vmem>>, vector<16xf32>,
      %broadcast_in_dim3A_133 = arith.constant 0.000000e+00 : f32
      %broadcast_in_dim3A_134 = vector.broadcast %broadcast_in_dim3A_133 : f32 to vector<16xf32>
      %mul3A_135 = arith.constant 16 : i32
      %mul3A_136 = arith.muli %scan3A_102, %mul3A_135 : i32
      %swap3A_137 = arith.index_cast %mul3A_136 : i32 to index
      %swap3A_138 = tpu.vector_load %arg13[%swap3A_137] {strides = array<i32>} : memref<10000xf32, #tpu.memory_space<vmem>>, vector<16xf32>,
      tpu.vector_store %arg13[%swap3A_137], %broadcast_in_dim3A_134 {strides = array<i32>} : memref<10000xf32, #tpu.memory_space<vmem>>, vector<16xf32>,
      %broadcast_in_dim3A_139 = arith.constant 0.000000e+00 : f32
      %broadcast_in_dim3A_140 = vector.broadcast %broadcast_in_dim3A_139 : f32 to vector<16xf32>
      %mul3A_141 = arith.constant 16 : i32
      %mul3A_142 = arith.muli %scan3A_102, %mul3A_141 : i32
      %swap3A_143 = arith.index_cast %mul3A_142 : i32 to index
      %swap3A_144 = tpu.vector_load %arg10[%swap3A_143] {strides = array<i32>} : memref<10000xf32, #tpu.memory_space<vmem>>, vector<16xf32>,
      tpu.vector_store %arg10[%swap3A_143], %broadcast_in_dim3A_140 {strides = array<i32>} : memref<10000xf32, #tpu.memory_space<vmem>>, vector<16xf32>,
      %broadcast_in_dim3A_145 = arith.constant 0.000000e+00 : f32
      %broadcast_in_dim3A_146 = vector.broadcast %broadcast_in_dim3A_145 : f32 to vector<16xf32>
      %mul3A_147 = arith.constant 16 : i32
      %mul3A_148 = arith.muli %scan3A_102, %mul3A_147 : i32
      %swap3A_149 = arith.index_cast %mul3A_148 : i32 to index
      %swap3A_150 = tpu.vector_load %arg14[%swap3A_149] {strides = array<i32>} : memref<10000xf32, #tpu.memory_space<vmem>>, vector<16xf32>,
      tpu.vector_store %arg14[%swap3A_149], %broadcast_in_dim3A_146 {strides = array<i32>} : memref<10000xf32, #tpu.memory_space<vmem>>, vector<16xf32>,
    }
    %scan3A_19 = arith.constant 625 : i32
    %broadcast_in_dim3A_20 = arith.constant 0 : i32
    %broadcast_in_dim3A_21 = vector.broadcast %broadcast_in_dim3A_20 : i32 to vector<16xi32>
    %swap3A = arith.constant 1600 : index
    %swap3A_22 = tpu.vector_load %arg15[%swap3A] {strides = array<i32>} : memref<3264xi32, #tpu.memory_space<vmem>>, vector<16xi32>,
    tpu.vector_store %arg15[%swap3A], %broadcast_in_dim3A_21 {strides = array<i32>} : memref<3264xi32, #tpu.memory_space<vmem>>, vector<16xi32>,
    %broadcast_in_dim3A_23 = arith.constant 0 : i32
    %broadcast_in_dim3A_24 = vector.broadcast %broadcast_in_dim3A_23 : i32 to vector<16xi32>
    %swap3A_25 = arith.constant 1600 : index
    %swap3A_26 = tpu.vector_load %arg16[%swap3A_25] {strides = array<i32>} : memref<3264xi32, #tpu.memory_space<vmem>>, vector<16xi32>,
    tpu.vector_store %arg16[%swap3A_25], %broadcast_in_dim3A_24 {strides = array<i32>} : memref<3264xi32, #tpu.memory_space<vmem>>, vector<16xi32>,
    %broadcast_in_dim3A_27 = arith.constant 0 : i32
    %broadcast_in_dim3A_28 = vector.broadcast %broadcast_in_dim3A_27 : i32 to vector<16xi32>
    %swap3A_29 = arith.constant 1616 : index
    %swap3A_30 = tpu.vector_load %arg15[%swap3A_29] {strides = array<i32>} : memref<3264xi32, #tpu.memory_space<vmem>>, vector<16xi32>,
    tpu.vector_store %arg15[%swap3A_29], %broadcast_in_dim3A_28 {strides = array<i32>} : memref<3264xi32, #tpu.memory_space<vmem>>, vector<16xi32>,
    %broadcast_in_dim3A_31 = arith.constant 0 : i32
    %broadcast_in_dim3A_32 = vector.broadcast %broadcast_in_dim3A_31 : i32 to vector<16xi32>
    %swap3A_33 = arith.constant 1616 : index
    %swap3A_34 = tpu.vector_load %arg16[%swap3A_33] {strides = array<i32>} : memref<3264xi32, #tpu.memory_space<vmem>>, vector<16xi32>,
    tpu.vector_store %arg16[%swap3A_33], %broadcast_in_dim3A_32 {strides = array<i32>} : memref<3264xi32, #tpu.memory_space<vmem>>, vector<16xi32>,
    %broadcast_in_dim3A_35 = arith.constant 0 : i32
    %broadcast_in_dim3A_36 = vector.broadcast %broadcast_in_dim3A_35 : i32 to vector<16xi32>
    %swap3A_37 = arith.constant 3232 : index
    %swap3A_38 = tpu.vector_load %arg15[%swap3A_37] {strides = array<i32>} : memref<3264xi32, #tpu.memory_space<vmem>>, vector<16xi32>,
    tpu.vector_store %arg15[%swap3A_37], %broadcast_in_dim3A_36 {strides = array<i32>} : memref<3264xi32, #tpu.memory_space<vmem>>, vector<16xi32>,
    %broadcast_in_dim3A_39 = arith.constant 0 : i32
    %broadcast_in_dim3A_40 = vector.broadcast %broadcast_in_dim3A_39 : i32 to vector<16xi32>
    %swap3A_41 = arith.constant 3232 : index
    %swap3A_42 = tpu.vector_load %arg16[%swap3A_41] {strides = array<i32>} : memref<3264xi32, #tpu.memory_space<vmem>>, vector<16xi32>,
    tpu.vector_store %arg16[%swap3A_41], %broadcast_in_dim3A_40 {strides = array<i32>} : memref<3264xi32, #tpu.memory_space<vmem>>, vector<16xi32>,
    %broadcast_in_dim3A_43 = arith.constant 0 : i32
    %broadcast_in_dim3A_44 = vector.broadcast %broadcast_in_dim3A_43 : i32 to vector<16xi32>
    %swap3A_45 = arith.constant 3248 : index
    %swap3A_46 = tpu.vector_load %arg15[%swap3A_45] {strides = array<i32>} : memref<3264xi32, #tpu.memory_space<vmem>>, vector<16xi32>,
    tpu.vector_store %arg15[%swap3A_45], %broadcast_in_dim3A_44 {strides = array<i32>} : memref<3264xi32, #tpu.memory_space<vmem>>, vector<16xi32>,
    %broadcast_in_dim3A_47 = arith.constant 0 : i32
    %broadcast_in_dim3A_48 = vector.broadcast %broadcast_in_dim3A_47 : i32 to vector<16xi32>
    %swap3A_49 = arith.constant 3248 : index
    %swap3A_50 = tpu.vector_load %arg16[%swap3A_49] {strides = array<i32>} : memref<3264xi32, #tpu.memory_space<vmem>>, vector<16xi32>,
    tpu.vector_store %arg16[%swap3A_49], %broadcast_in_dim3A_48 {strides = array<i32>} : memref<3264xi32, #tpu.memory_space<vmem>>, vector<16xi32>,
    %dma_start3A = arith.constant 0 : i32
    %dma_start3A_51 = tpu.memref_slice %arg15[%dma_start3A] : memref<3264xi32, #tpu.memory_space<vmem>> -> memref<1600xi32, #tpu.memory_space<vmem>>
    %dma_start3A_52 = arith.constant 0 : i32
    %dma_start3A_53 = tpu.memref_slice %arg3[%dma_start3A_52] : memref<320000xi32, #tpu.memory_space<hbm>> -> memref<1600xi32, #tpu.memory_space<hbm>>
    %dma_start3A_54 = arith.constant 0 : i32
    %dma_start3A_55 = tpu.memref_slice %arg15[%dma_start3A_54] : memref<3264xi32, #tpu.memory_space<vmem>> -> memref<1600xi32, #tpu.memory_space<vmem>>
    %dma_start3A_56 = arith.constant 0 : i32
    %dma_start3A_57 = tpu.memref_slice %arg3[%dma_start3A_56] : memref<320000xi32, #tpu.memory_space<hbm>> -> memref<1600xi32, #tpu.memory_space<hbm>>
    tpu.enqueue_dma source(%dma_start3A_57 : memref<1600xi32, #tpu.memory_space<hbm>>) target(%dma_start3A_55 : memref<1600xi32, #tpu.memory_space<vmem>>) target_semaphore(%arg17 : memref<!tpu.dma_semaphore, #tpu.memory_space<semaphore_mem>>)
    %dma_start3A_58 = arith.constant 0 : i32
    %dma_start3A_59 = tpu.memref_slice %arg16[%dma_start3A_58] : memref<3264xi32, #tpu.memory_space<vmem>> -> memref<1600xi32, #tpu.memory_space<vmem>>
    %dma_start3A_60 = arith.constant 0 : i32
    %dma_start3A_61 = tpu.memref_slice %arg4[%dma_start3A_60] : memref<320000xi32, #tpu.memory_space<hbm>> -> memref<1600xi32, #tpu.memory_space<hbm>>
    %dma_start3A_62 = arith.constant 0 : i32
    %dma_start3A_63 = tpu.memref_slice %arg16[%dma_start3A_62] : memref<3264xi32, #tpu.memory_space<vmem>> -> memref<1600xi32, #tpu.memory_space<vmem>>
    %dma_start3A_64 = arith.constant 0 : i32
    %dma_start3A_65 = tpu.memref_slice %arg4[%dma_start3A_64] : memref<320000xi32, #tpu.memory_space<hbm>> -> memref<1600xi32, #tpu.memory_space<hbm>>
    tpu.enqueue_dma source(%dma_start3A_65 : memref<1600xi32, #tpu.memory_space<hbm>>) target(%dma_start3A_63 : memref<1600xi32, #tpu.memory_space<vmem>>) target_semaphore(%arg19 : memref<!tpu.dma_semaphore, #tpu.memory_space<semaphore_mem>>)
    %dma_start3A_66 = arith.constant 1632 : i32
    %dma_start3A_67 = tpu.memref_slice %arg15[%dma_start3A_66] : memref<3264xi32, #tpu.memory_space<vmem>> -> memref<1600xi32, #tpu.memory_space<vmem>>
    %dma_start3A_68 = arith.constant 1600 : i32
    %dma_start3A_69 = tpu.memref_slice %arg3[%dma_start3A_68] : memref<320000xi32, #tpu.memory_space<hbm>> -> memref<1600xi32, #tpu.memory_space<hbm>>
    %dma_start3A_70 = arith.constant 1632 : i32
    %dma_start3A_71 = tpu.memref_slice %arg15[%dma_start3A_70] : memref<3264xi32, #tpu.memory_space<vmem>> -> memref<1600xi32, #tpu.memory_space<vmem>>
    %dma_start3A_72 = arith.constant 1600 : i32
    %dma_start3A_73 = tpu.memref_slice %arg3[%dma_start3A_72] : memref<320000xi32, #tpu.memory_space<hbm>> -> memref<1600xi32, #tpu.memory_space<hbm>>
    tpu.enqueue_dma source(%dma_start3A_73 : memref<1600xi32, #tpu.memory_space<hbm>>) target(%dma_start3A_71 : memref<1600xi32, #tpu.memory_space<vmem>>) target_semaphore(%arg18 : memref<!tpu.dma_semaphore, #tpu.memory_space<semaphore_mem>>)
    %dma_start3A_74 = arith.constant 1632 : i32
    %dma_start3A_75 = tpu.memref_slice %arg16[%dma_start3A_74] : memref<3264xi32, #tpu.memory_space<vmem>> -> memref<1600xi32, #tpu.memory_space<vmem>>
    %dma_start3A_76 = arith.constant 1600 : i32
    %dma_start3A_77 = tpu.memref_slice %arg4[%dma_start3A_76] : memref<320000xi32, #tpu.memory_space<hbm>> -> memref<1600xi32, #tpu.memory_space<hbm>>
    %dma_start3A_78 = arith.constant 1632 : i32
    %dma_start3A_79 = tpu.memref_slice %arg16[%dma_start3A_78] : memref<3264xi32, #tpu.memory_space<vmem>> -> memref<1600xi32, #tpu.memory_space<vmem>>
    %dma_start3A_80 = arith.constant 1600 : i32
    %dma_start3A_81 = tpu.memref_slice %arg4[%dma_start3A_80] : memref<320000xi32, #tpu.memory_space<hbm>> -> memref<1600xi32, #tpu.memory_space<hbm>>
    tpu.enqueue_dma source(%dma_start3A_81 : memref<1600xi32, #tpu.memory_space<hbm>>) target(%dma_start3A_79 : memref<1600xi32, #tpu.memory_space<vmem>>) target_semaphore(%arg20 : memref<!tpu.dma_semaphore, #tpu.memory_space<semaphore_mem>>)
    %scan3A_82 = arith.constant 0 : i32
    %scan3A_83 = arith.constant 0 : i32
    %scan3A_84 = arith.constant 100 : i32
    %scan3A_85 = arith.addi %scan3A_83, %scan3A_84 : i32
    %scan3A_86 = arith.constant 1 : i32
    scf.for %scan3A_102 = %scan3A_83 to %scan3A_85 step %scan3A_86  : i32 {
      %mul3A_103 = arith.constant 2 : i32
      %mul3A_104 = arith.muli %scan3A_102, %mul3A_103 : i32
      %add3A_105 = arith.constant 0 : i32
      %add3A_106 = arith.addi %mul3A_104, %add3A_105 : i32
      %mul3A_107 = arith.constant 1600 : i32
      %mul3A_108 = arith.muli %add3A_106, %mul3A_107 : i32
      %dma_wait3A = arith.constant 0 : i32
      %dma_wait3A_109 = tpu.memref_slice %arg15[%dma_wait3A] : memref<3264xi32, #tpu.memory_space<vmem>> -> memref<1600xi32, #tpu.memory_space<vmem>>
      %dma_wait3A_110 = tpu.memref_slice %arg3[%mul3A_108] : memref<320000xi32, #tpu.memory_space<hbm>> -> memref<1600xi32, #tpu.memory_space<hbm>>
      %dma_wait3A_111 = arith.constant 0 : i32
      %dma_wait3A_112 = tpu.memref_slice %arg15[%dma_wait3A_111] : memref<3264xi32, #tpu.memory_space<vmem>> -> memref<1600xi32, #tpu.memory_space<vmem>>
      %dma_wait3A_113 = tpu.memref_slice %arg3[%mul3A_108] : memref<320000xi32, #tpu.memory_space<hbm>> -> memref<1600xi32, #tpu.memory_space<hbm>>
      tpu.wait_dma2 semaphore(%arg17 : memref<!tpu.dma_semaphore, #tpu.memory_space<semaphore_mem>>) src(%dma_wait3A_113 : memref<1600xi32, #tpu.memory_space<hbm>>) dst(%dma_wait3A_112 : memref<1600xi32, #tpu.memory_space<vmem>>)
      %mul3A_114 = arith.constant 1600 : i32
      %mul3A_115 = arith.muli %add3A_106, %mul3A_114 : i32
      %dma_wait3A_116 = arith.constant 0 : i32
      %dma_wait3A_117 = tpu.memref_slice %arg16[%dma_wait3A_116] : memref<3264xi32, #tpu.memory_space<vmem>> -> memref<1600xi32, #tpu.memory_space<vmem>>
      %dma_wait3A_118 = tpu.memref_slice %arg4[%mul3A_115] : memref<320000xi32, #tpu.memory_space<hbm>> -> memref<1600xi32, #tpu.memory_space<hbm>>
      %dma_wait3A_119 = arith.constant 0 : i32
      %dma_wait3A_120 = tpu.memref_slice %arg16[%dma_wait3A_119] : memref<3264xi32, #tpu.memory_space<vmem>> -> memref<1600xi32, #tpu.memory_space<vmem>>
      %dma_wait3A_121 = tpu.memref_slice %arg4[%mul3A_115] : memref<320000xi32, #tpu.memory_space<hbm>> -> memref<1600xi32, #tpu.memory_space<hbm>>
      tpu.wait_dma2 semaphore(%arg19 : memref<!tpu.dma_semaphore, #tpu.memory_space<semaphore_mem>>) src(%dma_wait3A_121 : memref<1600xi32, #tpu.memory_space<hbm>>) dst(%dma_wait3A_120 : memref<1600xi32, #tpu.memory_space<vmem>>)
      %get3A = arith.constant 0 : index
      %get3A_122 = tpu.vector_load %arg15[%get3A] {strides = array<i32>} : memref<3264xi32, #tpu.memory_space<vmem>>, vector<16xi32>,
      %get3A_123 = arith.constant 0 : index
      %get3A_124 = tpu.vector_load %arg16[%get3A_123] {strides = array<i32>} : memref<3264xi32, #tpu.memory_space<vmem>>, vector<16xi32>,
      %get3A_125 = arith.constant 16 : index
      %get3A_126 = tpu.vector_load %arg15[%get3A_125] {strides = array<i32>} : memref<3264xi32, #tpu.memory_space<vmem>>, vector<16xi32>,
      %get3A_127 = arith.constant 16 : index
      %get3A_128 = tpu.vector_load %arg16[%get3A_127] {strides = array<i32>} : memref<3264xi32, #tpu.memory_space<vmem>>, vector<16xi32>,
      %add3A_129 = arith.constant 0 : i32
      %add3A_130 = vector.broadcast %add3A_129 : i32 to vector<16xi32>
      %add3A_131 = arith.addi %get3A_122, %add3A_130 : vector<16xi32>
      %gather3A = tpu.vector_load_idx %arg6[%add3A_131] : memref<40000xf32, #tpu.memory_space<vmem>>[vector<16xi32>], vector<16xf32>,
      %add3A_132 = arith.constant 10000 : i32
      %add3A_133 = vector.broadcast %add3A_132 : i32 to vector<16xi32>
      %add3A_134 = arith.addi %get3A_122, %add3A_133 : vector<16xi32>
      %gather3A_135 = tpu.vector_load_idx %arg6[%add3A_134] : memref<40000xf32, #tpu.memory_space<vmem>>[vector<16xi32>], vector<16xf32>,
      %add3A_136 = arith.constant 20000 : i32
      %add3A_137 = vector.broadcast %add3A_136 : i32 to vector<16xi32>
      %add3A_138 = arith.addi %get3A_122, %add3A_137 : vector<16xi32>
      %gather3A_139 = tpu.vector_load_idx %arg6[%add3A_138] : memref<40000xf32, #tpu.memory_space<vmem>>[vector<16xi32>], vector<16xf32>,
      %add3A_140 = arith.constant 30000 : i32
      %add3A_141 = vector.broadcast %add3A_140 : i32 to vector<16xi32>
      %add3A_142 = arith.addi %get3A_122, %add3A_141 : vector<16xi32>
      %gather3A_143 = tpu.vector_load_idx %arg6[%add3A_142] : memref<40000xf32, #tpu.memory_space<vmem>>[vector<16xi32>], vector<16xf32>,
      %add3A_144 = arith.constant 0 : i32
      %add3A_145 = vector.broadcast %add3A_144 : i32 to vector<16xi32>
      %add3A_146 = arith.addi %get3A_126, %add3A_145 : vector<16xi32>
      %gather3A_147 = tpu.vector_load_idx %arg6[%add3A_146] : memref<40000xf32, #tpu.memory_space<vmem>>[vector<16xi32>], vector<16xf32>,
      %add3A_148 = arith.constant 10000 : i32
      %add3A_149 = vector.broadcast %add3A_148 : i32 to vector<16xi32>
      %add3A_150 = arith.addi %get3A_126, %add3A_149 : vector<16xi32>
      %gather3A_151 = tpu.vector_load_idx %arg6[%add3A_150] : memref<40000xf32, #tpu.memory_space<vmem>>[vector<16xi32>], vector<16xf32>,
      %add3A_152 = arith.constant 20000 : i32
      %add3A_153 = vector.broadcast %add3A_152 : i32 to vector<16xi32>
      %add3A_154 = arith.addi %get3A_126, %add3A_153 : vector<16xi32>
      %gather3A_155 = tpu.vector_load_idx %arg6[%add3A_154] : memref<40000xf32, #tpu.memory_space<vmem>>[vector<16xi32>], vector<16xf32>,
      %add3A_156 = arith.constant 30000 : i32
      %add3A_157 = vector.broadcast %add3A_156 : i32 to vector<16xi32>
      %add3A_158 = arith.addi %get3A_126, %add3A_157 : vector<16xi32>
      %gather3A_159 = tpu.vector_load_idx %arg6[%add3A_158] : memref<40000xf32, #tpu.memory_space<vmem>>[vector<16xi32>], vector<16xf32>,
      %broadcast_in_dim3A_160 = arith.constant false
      %broadcast_in_dim3A_161 = vector.broadcast %broadcast_in_dim3A_160 : i1 to vector<16xi1>
      %scan3A_162 = arith.constant 0 : i32
      %scan3A_163 = arith.constant 50 : i32
      %scan3A_164 = arith.addi %scan3A_162, %scan3A_163 : i32
      %scan3A_165 = arith.constant 2 : i32
      %scan3A_166:13 = scf.for %scan3A_275 = %scan3A_162 to %scan3A_164 step %scan3A_165 iter_args(%scan3A_276 = %get3A_122, %scan3A_277 = %get3A_124, %scan3A_278 = %gather3A, %scan3A_279 = %gather3A_135, %scan3A_280 = %gather3A_139, %scan3A_281 = %gather3A_143, %scan3A_282 = %get3A_126, %scan3A_283 = %get3A_128, %scan3A_284 = %gather3A_147, %scan3A_285 = %gather3A_151, %scan3A_286 = %gather3A_155, %scan3A_287 = %gather3A_159, %scan3A_288 = %broadcast_in_dim3A_161) -> (vector<16xi32>, vector<16xi32>, vector<16xf32>, vector<16xf32>, vector<16xf32>, vector<16xf32>, vector<16xi32>, vector<16xi32>, vector<16xf32>, vector<16xf32>, vector<16xf32>, vector<16xf32>, vector<16xi1>)  : i32 {
        %add3A_289 = arith.constant 1 : i32
        %add3A_290 = arith.addi %scan3A_275, %add3A_289 : i32
        %mul3A_291 = arith.constant 32 : i32
        %mul3A_292 = arith.muli %add3A_290, %mul3A_291 : i32
        %add3A_293 = arith.constant 0 : i32
        %add3A_294 = arith.addi %add3A_293, %mul3A_292 : i32
        %get3A_295 = arith.index_cast %add3A_294 : i32 to index
        %get3A_296 = tpu.vector_load %arg15[%get3A_295] {strides = array<i32>} : memref<3264xi32, #tpu.memory_space<vmem>>, vector<16xi32>,
        %get3A_297 = arith.index_cast %add3A_294 : i32 to index
        %get3A_298 = tpu.vector_load %arg16[%get3A_297] {strides = array<i32>} : memref<3264xi32, #tpu.memory_space<vmem>>, vector<16xi32>,
        %add3A_299 = arith.constant 16 : i32
        %add3A_300 = arith.addi %add3A_294, %add3A_299 : i32
        %get3A_301 = arith.index_cast %add3A_300 : i32 to index
        %get3A_302 = tpu.vector_load %arg15[%get3A_301] {strides = array<i32>} : memref<3264xi32, #tpu.memory_space<vmem>>, vector<16xi32>,
        %add3A_303 = arith.constant 16 : i32
        %add3A_304 = arith.addi %add3A_294, %add3A_303 : i32
        %get3A_305 = arith.index_cast %add3A_304 : i32 to index
        %get3A_306 = tpu.vector_load %arg16[%get3A_305] {strides = array<i32>} : memref<3264xi32, #tpu.memory_space<vmem>>, vector<16xi32>,
        %add3A_307 = arith.constant 0 : i32
        %add3A_308 = vector.broadcast %add3A_307 : i32 to vector<16xi32>
        %add3A_309 = arith.addi %get3A_296, %add3A_308 : vector<16xi32>
        %gather3A_310 = tpu.vector_load_idx %arg6[%add3A_309] : memref<40000xf32, #tpu.memory_space<vmem>>[vector<16xi32>], vector<16xf32>,
        %add3A_311 = arith.constant 10000 : i32
        %add3A_312 = vector.broadcast %add3A_311 : i32 to vector<16xi32>
        %add3A_313 = arith.addi %get3A_296, %add3A_312 : vector<16xi32>
        %gather3A_314 = tpu.vector_load_idx %arg6[%add3A_313] : memref<40000xf32, #tpu.memory_space<vmem>>[vector<16xi32>], vector<16xf32>,
        %add3A_315 = arith.constant 20000 : i32
        %add3A_316 = vector.broadcast %add3A_315 : i32 to vector<16xi32>
        %add3A_317 = arith.addi %get3A_296, %add3A_316 : vector<16xi32>
        %gather3A_318 = tpu.vector_load_idx %arg6[%add3A_317] : memref<40000xf32, #tpu.memory_space<vmem>>[vector<16xi32>], vector<16xf32>,
        %add3A_319 = arith.constant 30000 : i32
        %add3A_320 = vector.broadcast %add3A_319 : i32 to vector<16xi32>
        %add3A_321 = arith.addi %get3A_296, %add3A_320 : vector<16xi32>
        %gather3A_322 = tpu.vector_load_idx %arg6[%add3A_321] : memref<40000xf32, #tpu.memory_space<vmem>>[vector<16xi32>], vector<16xf32>,
        %add3A_323 = arith.constant 0 : i32
        %add3A_324 = vector.broadcast %add3A_323 : i32 to vector<16xi32>
        %add3A_325 = arith.addi %get3A_302, %add3A_324 : vector<16xi32>
        %gather3A_326 = tpu.vector_load_idx %arg6[%add3A_325] : memref<40000xf32, #tpu.memory_space<vmem>>[vector<16xi32>], vector<16xf32>,
        %add3A_327 = arith.constant 10000 : i32
        %add3A_328 = vector.broadcast %add3A_327 : i32 to vector<16xi32>
        %add3A_329 = arith.addi %get3A_302, %add3A_328 : vector<16xi32>
        %gather3A_330 = tpu.vector_load_idx %arg6[%add3A_329] : memref<40000xf32, #tpu.memory_space<vmem>>[vector<16xi32>], vector<16xf32>,
        %add3A_331 = arith.constant 20000 : i32
        %add3A_332 = vector.broadcast %add3A_331 : i32 to vector<16xi32>
        %add3A_333 = arith.addi %get3A_302, %add3A_332 : vector<16xi32>
        %gather3A_334 = tpu.vector_load_idx %arg6[%add3A_333] : memref<40000xf32, #tpu.memory_space<vmem>>[vector<16xi32>], vector<16xf32>,
        %add3A_335 = arith.constant 30000 : i32
        %add3A_336 = vector.broadcast %add3A_335 : i32 to vector<16xi32>
        %add3A_337 = arith.addi %get3A_302, %add3A_336 : vector<16xi32>
        %gather3A_338 = tpu.vector_load_idx %arg6[%add3A_337] : memref<40000xf32, #tpu.memory_space<vmem>>[vector<16xi32>], vector<16xf32>,
        %gather3A_339 = tpu.vector_load_idx %arg7[%scan3A_277] : memref<10000xf32, #tpu.memory_space<vmem>>[vector<16xi32>], vector<16xf32>,
        %gather3A_340 = tpu.vector_load_idx %arg8[%scan3A_277] : memref<10000xf32, #tpu.memory_space<vmem>>[vector<16xi32>], vector<16xf32>,
        %gather3A_341 = tpu.vector_load_idx %arg9[%scan3A_277] : memref<10000xf32, #tpu.memory_space<vmem>>[vector<16xi32>], vector<16xf32>,
        %gather3A_342 = tpu.vector_load_idx %arg10[%scan3A_277] : memref<10000xf32, #tpu.memory_space<vmem>>[vector<16xi32>], vector<16xf32>,
        %max3A = arith.maximumf %gather3A_339, %scan3A_278 : vector<16xf32>
        %max3A_343 = arith.maximumf %gather3A_340, %scan3A_279 : vector<16xf32>
        %max3A_344 = arith.maximumf %gather3A_341, %scan3A_280 : vector<16xf32>
        %max3A_345 = arith.maximumf %gather3A_342, %scan3A_281 : vector<16xf32>
        tpu.vector_store_idx %arg7[%scan3A_277], %max3A : memref<10000xf32, #tpu.memory_space<vmem>>[vector<16xi32>], vector<16xf32>,
        tpu.vector_store_idx %arg8[%scan3A_277], %max3A_343 : memref<10000xf32, #tpu.memory_space<vmem>>[vector<16xi32>], vector<16xf32>,
        tpu.vector_store_idx %arg9[%scan3A_277], %max3A_344 : memref<10000xf32, #tpu.memory_space<vmem>>[vector<16xi32>], vector<16xf32>,
        tpu.vector_store_idx %arg10[%scan3A_277], %max3A_345 : memref<10000xf32, #tpu.memory_space<vmem>>[vector<16xi32>], vector<16xf32>,
        %gather3A_346 = tpu.vector_load_idx %arg7[%scan3A_277] : memref<10000xf32, #tpu.memory_space<vmem>>[vector<16xi32>], vector<16xf32>,
        %lt3A_347 = arith.cmpf olt, %gather3A_346, %max3A : vector<16xf32>
        %gather3A_348 = tpu.vector_load_idx %arg8[%scan3A_277] : memref<10000xf32, #tpu.memory_space<vmem>>[vector<16xi32>], vector<16xf32>,
        %lt3A_349 = arith.cmpf olt, %gather3A_348, %max3A_343 : vector<16xf32>
        %gather3A_350 = tpu.vector_load_idx %arg9[%scan3A_277] : memref<10000xf32, #tpu.memory_space<vmem>>[vector<16xi32>], vector<16xf32>,
        %lt3A_351 = arith.cmpf olt, %gather3A_350, %max3A_344 : vector<16xf32>
        %gather3A_352 = tpu.vector_load_idx %arg10[%scan3A_277] : memref<10000xf32, #tpu.memory_space<vmem>>[vector<16xi32>], vector<16xf32>,
        %lt3A_353 = arith.cmpf olt, %gather3A_352, %max3A_345 : vector<16xf32>
        tpu.vector_store_idx %arg7[%scan3A_277], %max3A masked %lt3A_347 : memref<10000xf32, #tpu.memory_space<vmem>>[vector<16xi32>], vector<16xf32>, vector<16xi1>
        tpu.vector_store_idx %arg8[%scan3A_277], %max3A_343 masked %lt3A_349 : memref<10000xf32, #tpu.memory_space<vmem>>[vector<16xi32>], vector<16xf32>, vector<16xi1>
        tpu.vector_store_idx %arg9[%scan3A_277], %max3A_344 masked %lt3A_351 : memref<10000xf32, #tpu.memory_space<vmem>>[vector<16xi32>], vector<16xf32>, vector<16xi1>
        tpu.vector_store_idx %arg10[%scan3A_277], %max3A_345 masked %lt3A_353 : memref<10000xf32, #tpu.memory_space<vmem>>[vector<16xi32>], vector<16xf32>, vector<16xi1>
        %broadcast_in_dim3A_354 = arith.constant true
        %broadcast_in_dim3A_355 = vector.broadcast %broadcast_in_dim3A_354 : i1 to vector<16xi1>
        %unique3A_356, %unique3A_357 = tpu.scan_count mask(%broadcast_in_dim3A_355 : vector<16xi1>) value(%scan3A_277 : vector<16xi32>) : vector<16xi1>, vector<16xi32>
        %ge3A = vector.broadcast %reduce_max3A_14 : i32 to vector<16xi32>
        %ge3A_358 = arith.cmpi sge, %unique3A_357, %ge3A : vector<16xi32>
        %or3A = arith.ori %scan3A_288, %ge3A_358 : vector<16xi1>
        %gather3A_359 = tpu.vector_load_idx %arg11[%scan3A_283] : memref<10000xf32, #tpu.memory_space<vmem>>[vector<16xi32>], vector<16xf32>,
        %gather3A_360 = tpu.vector_load_idx %arg12[%scan3A_283] : memref<10000xf32, #tpu.memory_space<vmem>>[vector<16xi32>], vector<16xf32>,
        %gather3A_361 = tpu.vector_load_idx %arg13[%scan3A_283] : memref<10000xf32, #tpu.memory_space<vmem>>[vector<16xi32>], vector<16xf32>,
        %gather3A_362 = tpu.vector_load_idx %arg14[%scan3A_283] : memref<10000xf32, #tpu.memory_space<vmem>>[vector<16xi32>], vector<16xf32>,
        %max3A_363 = arith.maximumf %gather3A_359, %scan3A_284 : vector<16xf32>
        %max3A_364 = arith.maximumf %gather3A_360, %scan3A_285 : vector<16xf32>
        %max3A_365 = arith.maximumf %gather3A_361, %scan3A_286 : vector<16xf32>
        %max3A_366 = arith.maximumf %gather3A_362, %scan3A_287 : vector<16xf32>
        tpu.vector_store_idx %arg11[%scan3A_283], %max3A_363 : memref<10000xf32, #tpu.memory_space<vmem>>[vector<16xi32>], vector<16xf32>,
        tpu.vector_store_idx %arg12[%scan3A_283], %max3A_364 : memref<10000xf32, #tpu.memory_space<vmem>>[vector<16xi32>], vector<16xf32>,
        tpu.vector_store_idx %arg13[%scan3A_283], %max3A_365 : memref<10000xf32, #tpu.memory_space<vmem>>[vector<16xi32>], vector<16xf32>,
        tpu.vector_store_idx %arg14[%scan3A_283], %max3A_366 : memref<10000xf32, #tpu.memory_space<vmem>>[vector<16xi32>], vector<16xf32>,
        %gather3A_367 = tpu.vector_load_idx %arg11[%scan3A_283] : memref<10000xf32, #tpu.memory_space<vmem>>[vector<16xi32>], vector<16xf32>,
        %lt3A_368 = arith.cmpf olt, %gather3A_367, %max3A_363 : vector<16xf32>
        %gather3A_369 = tpu.vector_load_idx %arg12[%scan3A_283] : memref<10000xf32, #tpu.memory_space<vmem>>[vector<16xi32>], vector<16xf32>,
        %lt3A_370 = arith.cmpf olt, %gather3A_369, %max3A_364 : vector<16xf32>
        %gather3A_371 = tpu.vector_load_idx %arg13[%scan3A_283] : memref<10000xf32, #tpu.memory_space<vmem>>[vector<16xi32>], vector<16xf32>,
        %lt3A_372 = arith.cmpf olt, %gather3A_371, %max3A_365 : vector<16xf32>
        %gather3A_373 = tpu.vector_load_idx %arg14[%scan3A_283] : memref<10000xf32, #tpu.memory_space<vmem>>[vector<16xi32>], vector<16xf32>,
        %lt3A_374 = arith.cmpf olt, %gather3A_373, %max3A_366 : vector<16xf32>
        tpu.vector_store_idx %arg11[%scan3A_283], %max3A_363 masked %lt3A_368 : memref<10000xf32, #tpu.memory_space<vmem>>[vector<16xi32>], vector<16xf32>, vector<16xi1>
        tpu.vector_store_idx %arg12[%scan3A_283], %max3A_364 masked %lt3A_370 : memref<10000xf32, #tpu.memory_space<vmem>>[vector<16xi32>], vector<16xf32>, vector<16xi1>
        tpu.vector_store_idx %arg13[%scan3A_283], %max3A_365 masked %lt3A_372 : memref<10000xf32, #tpu.memory_space<vmem>>[vector<16xi32>], vector<16xf32>, vector<16xi1>
        tpu.vector_store_idx %arg14[%scan3A_283], %max3A_366 masked %lt3A_374 : memref<10000xf32, #tpu.memory_space<vmem>>[vector<16xi32>], vector<16xf32>, vector<16xi1>
        %broadcast_in_dim3A_375 = arith.constant true
        %broadcast_in_dim3A_376 = vector.broadcast %broadcast_in_dim3A_375 : i1 to vector<16xi1>
        %unique3A_377, %unique3A_378 = tpu.scan_count mask(%broadcast_in_dim3A_376 : vector<16xi1>) value(%scan3A_283 : vector<16xi32>) : vector<16xi1>, vector<16xi32>
        %ge3A_379 = vector.broadcast %reduce_max3A_14 : i32 to vector<16xi32>
        %ge3A_380 = arith.cmpi sge, %unique3A_378, %ge3A_379 : vector<16xi32>
        %or3A_381 = arith.ori %or3A, %ge3A_380 : vector<16xi1>
        %scan3A_382 = arith.constant 1 : i32
        %scan3A_383 = arith.addi %scan3A_275, %scan3A_382 : i32
        %add3A_384 = arith.constant 1 : i32
        %add3A_385 = arith.addi %scan3A_383, %add3A_384 : i32
        %mul3A_386 = arith.constant 32 : i32
        %mul3A_387 = arith.muli %add3A_385, %mul3A_386 : i32
        %add3A_388 = arith.constant 0 : i32
        %add3A_389 = arith.addi %add3A_388, %mul3A_387 : i32
        %get3A_390 = arith.index_cast %add3A_389 : i32 to index
        %get3A_391 = tpu.vector_load %arg15[%get3A_390] {strides = array<i32>} : memref<3264xi32, #tpu.memory_space<vmem>>, vector<16xi32>,
        %get3A_392 = arith.index_cast %add3A_389 : i32 to index
        %get3A_393 = tpu.vector_load %arg16[%get3A_392] {strides = array<i32>} : memref<3264xi32, #tpu.memory_space<vmem>>, vector<16xi32>,
        %add3A_394 = arith.constant 16 : i32
        %add3A_395 = arith.addi %add3A_389, %add3A_394 : i32
        %get3A_396 = arith.index_cast %add3A_395 : i32 to index
        %get3A_397 = tpu.vector_load %arg15[%get3A_396] {strides = array<i32>} : memref<3264xi32, #tpu.memory_space<vmem>>, vector<16xi32>,
        %add3A_398 = arith.constant 16 : i32
        %add3A_399 = arith.addi %add3A_389, %add3A_398 : i32
        %get3A_400 = arith.index_cast %add3A_399 : i32 to index
        %get3A_401 = tpu.vector_load %arg16[%get3A_400] {strides = array<i32>} : memref<3264xi32, #tpu.memory_space<vmem>>, vector<16xi32>,
        %add3A_402 = arith.constant 0 : i32
        %add3A_403 = vector.broadcast %add3A_402 : i32 to vector<16xi32>
        %add3A_404 = arith.addi %get3A_391, %add3A_403 : vector<16xi32>
        %gather3A_405 = tpu.vector_load_idx %arg6[%add3A_404] : memref<40000xf32, #tpu.memory_space<vmem>>[vector<16xi32>], vector<16xf32>,
        %add3A_406 = arith.constant 10000 : i32
        %add3A_407 = vector.broadcast %add3A_406 : i32 to vector<16xi32>
        %add3A_408 = arith.addi %get3A_391, %add3A_407 : vector<16xi32>
        %gather3A_409 = tpu.vector_load_idx %arg6[%add3A_408] : memref<40000xf32, #tpu.memory_space<vmem>>[vector<16xi32>], vector<16xf32>,
        %add3A_410 = arith.constant 20000 : i32
        %add3A_411 = vector.broadcast %add3A_410 : i32 to vector<16xi32>
        %add3A_412 = arith.addi %get3A_391, %add3A_411 : vector<16xi32>
        %gather3A_413 = tpu.vector_load_idx %arg6[%add3A_412] : memref<40000xf32, #tpu.memory_space<vmem>>[vector<16xi32>], vector<16xf32>,
        %add3A_414 = arith.constant 30000 : i32
        %add3A_415 = vector.broadcast %add3A_414 : i32 to vector<16xi32>
        %add3A_416 = arith.addi %get3A_391, %add3A_415 : vector<16xi32>
        %gather3A_417 = tpu.vector_load_idx %arg6[%add3A_416] : memref<40000xf32, #tpu.memory_space<vmem>>[vector<16xi32>], vector<16xf32>,
        %add3A_418 = arith.constant 0 : i32
        %add3A_419 = vector.broadcast %add3A_418 : i32 to vector<16xi32>
        %add3A_420 = arith.addi %get3A_397, %add3A_419 : vector<16xi32>
        %gather3A_421 = tpu.vector_load_idx %arg6[%add3A_420] : memref<40000xf32, #tpu.memory_space<vmem>>[vector<16xi32>], vector<16xf32>,
        %add3A_422 = arith.constant 10000 : i32
        %add3A_423 = vector.broadcast %add3A_422 : i32 to vector<16xi32>
        %add3A_424 = arith.addi %get3A_397, %add3A_423 : vector<16xi32>
        %gather3A_425 = tpu.vector_load_idx %arg6[%add3A_424] : memref<40000xf32, #tpu.memory_space<vmem>>[vector<16xi32>], vector<16xf32>,
        %add3A_426 = arith.constant 20000 : i32
        %add3A_427 = vector.broadcast %add3A_426 : i32 to vector<16xi32>
        %add3A_428 = arith.addi %get3A_397, %add3A_427 : vector<16xi32>
        %gather3A_429 = tpu.vector_load_idx %arg6[%add3A_428] : memref<40000xf32, #tpu.memory_space<vmem>>[vector<16xi32>], vector<16xf32>,
        %add3A_430 = arith.constant 30000 : i32
        %add3A_431 = vector.broadcast %add3A_430 : i32 to vector<16xi32>
        %add3A_432 = arith.addi %get3A_397, %add3A_431 : vector<16xi32>
        %gather3A_433 = tpu.vector_load_idx %arg6[%add3A_432] : memref<40000xf32, #tpu.memory_space<vmem>>[vector<16xi32>], vector<16xf32>,
        %gather3A_434 = tpu.vector_load_idx %arg7[%get3A_298] : memref<10000xf32, #tpu.memory_space<vmem>>[vector<16xi32>], vector<16xf32>,
        %gather3A_435 = tpu.vector_load_idx %arg8[%get3A_298] : memref<10000xf32, #tpu.memory_space<vmem>>[vector<16xi32>], vector<16xf32>,
        %gather3A_436 = tpu.vector_load_idx %arg9[%get3A_298] : memref<10000xf32, #tpu.memory_space<vmem>>[vector<16xi32>], vector<16xf32>,
        %gather3A_437 = tpu.vector_load_idx %arg10[%get3A_298] : memref<10000xf32, #tpu.memory_space<vmem>>[vector<16xi32>], vector<16xf32>,
        %max3A_438 = arith.maximumf %gather3A_434, %gather3A_310 : vector<16xf32>
        %max3A_439 = arith.maximumf %gather3A_435, %gather3A_314 : vector<16xf32>
        %max3A_440 = arith.maximumf %gather3A_436, %gather3A_318 : vector<16xf32>
        %max3A_441 = arith.maximumf %gather3A_437, %gather3A_322 : vector<16xf32>
        tpu.vector_store_idx %arg7[%get3A_298], %max3A_438 : memref<10000xf32, #tpu.memory_space<vmem>>[vector<16xi32>], vector<16xf32>,
        tpu.vector_store_idx %arg8[%get3A_298], %max3A_439 : memref<10000xf32, #tpu.memory_space<vmem>>[vector<16xi32>], vector<16xf32>,
        tpu.vector_store_idx %arg9[%get3A_298], %max3A_440 : memref<10000xf32, #tpu.memory_space<vmem>>[vector<16xi32>], vector<16xf32>,
        tpu.vector_store_idx %arg10[%get3A_298], %max3A_441 : memref<10000xf32, #tpu.memory_space<vmem>>[vector<16xi32>], vector<16xf32>,
        %gather3A_442 = tpu.vector_load_idx %arg7[%get3A_298] : memref<10000xf32, #tpu.memory_space<vmem>>[vector<16xi32>], vector<16xf32>,
        %lt3A_443 = arith.cmpf olt, %gather3A_442, %max3A_438 : vector<16xf32>
        %gather3A_444 = tpu.vector_load_idx %arg8[%get3A_298] : memref<10000xf32, #tpu.memory_space<vmem>>[vector<16xi32>], vector<16xf32>,
        %lt3A_445 = arith.cmpf olt, %gather3A_444, %max3A_439 : vector<16xf32>
        %gather3A_446 = tpu.vector_load_idx %arg9[%get3A_298] : memref<10000xf32, #tpu.memory_space<vmem>>[vector<16xi32>], vector<16xf32>,
        %lt3A_447 = arith.cmpf olt, %gather3A_446, %max3A_440 : vector<16xf32>
        %gather3A_448 = tpu.vector_load_idx %arg10[%get3A_298] : memref<10000xf32, #tpu.memory_space<vmem>>[vector<16xi32>], vector<16xf32>,
        %lt3A_449 = arith.cmpf olt, %gather3A_448, %max3A_441 : vector<16xf32>
        tpu.vector_store_idx %arg7[%get3A_298], %max3A_438 masked %lt3A_443 : memref<10000xf32, #tpu.memory_space<vmem>>[vector<16xi32>], vector<16xf32>, vector<16xi1>
        tpu.vector_store_idx %arg8[%get3A_298], %max3A_439 masked %lt3A_445 : memref<10000xf32, #tpu.memory_space<vmem>>[vector<16xi32>], vector<16xf32>, vector<16xi1>
        tpu.vector_store_idx %arg9[%get3A_298], %max3A_440 masked %lt3A_447 : memref<10000xf32, #tpu.memory_space<vmem>>[vector<16xi32>], vector<16xf32>, vector<16xi1>
        tpu.vector_store_idx %arg10[%get3A_298], %max3A_441 masked %lt3A_449 : memref<10000xf32, #tpu.memory_space<vmem>>[vector<16xi32>], vector<16xf32>, vector<16xi1>
        %broadcast_in_dim3A_450 = arith.constant true
        %broadcast_in_dim3A_451 = vector.broadcast %broadcast_in_dim3A_450 : i1 to vector<16xi1>
        %unique3A_452, %unique3A_453 = tpu.scan_count mask(%broadcast_in_dim3A_451 : vector<16xi1>) value(%get3A_298 : vector<16xi32>) : vector<16xi1>, vector<16xi32>
        %ge3A_454 = vector.broadcast %reduce_max3A_14 : i32 to vector<16xi32>
        %ge3A_455 = arith.cmpi sge, %unique3A_453, %ge3A_454 : vector<16xi32>
        %or3A_456 = arith.ori %or3A_381, %ge3A_455 : vector<16xi1>
        %gather3A_457 = tpu.vector_load_idx %arg11[%get3A_306] : memref<10000xf32, #tpu.memory_space<vmem>>[vector<16xi32>], vector<16xf32>,
        %gather3A_458 = tpu.vector_load_idx %arg12[%get3A_306] : memref<10000xf32, #tpu.memory_space<vmem>>[vector<16xi32>], vector<16xf32>,
        %gather3A_459 = tpu.vector_load_idx %arg13[%get3A_306] : memref<10000xf32, #tpu.memory_space<vmem>>[vector<16xi32>], vector<16xf32>,
        %gather3A_460 = tpu.vector_load_idx %arg14[%get3A_306] : memref<10000xf32, #tpu.memory_space<vmem>>[vector<16xi32>], vector<16xf32>,
        %max3A_461 = arith.maximumf %gather3A_457, %gather3A_326 : vector<16xf32>
        %max3A_462 = arith.maximumf %gather3A_458, %gather3A_330 : vector<16xf32>
        %max3A_463 = arith.maximumf %gather3A_459, %gather3A_334 : vector<16xf32>
        %max3A_464 = arith.maximumf %gather3A_460, %gather3A_338 : vector<16xf32>
        tpu.vector_store_idx %arg11[%get3A_306], %max3A_461 : memref<10000xf32, #tpu.memory_space<vmem>>[vector<16xi32>], vector<16xf32>,
        tpu.vector_store_idx %arg12[%get3A_306], %max3A_462 : memref<10000xf32, #tpu.memory_space<vmem>>[vector<16xi32>], vector<16xf32>,
        tpu.vector_store_idx %arg13[%get3A_306], %max3A_463 : memref<10000xf32, #tpu.memory_space<vmem>>[vector<16xi32>], vector<16xf32>,
        tpu.vector_store_idx %arg14[%get3A_306], %max3A_464 : memref<10000xf32, #tpu.memory_space<vmem>>[vector<16xi32>], vector<16xf32>,
        %gather3A_465 = tpu.vector_load_idx %arg11[%get3A_306] : memref<10000xf32, #tpu.memory_space<vmem>>[vector<16xi32>], vector<16xf32>,
        %lt3A_466 = arith.cmpf olt, %gather3A_465, %max3A_461 : vector<16xf32>
        %gather3A_467 = tpu.vector_load_idx %arg12[%get3A_306] : memref<10000xf32, #tpu.memory_space<vmem>>[vector<16xi32>], vector<16xf32>,
        %lt3A_468 = arith.cmpf olt, %gather3A_467, %max3A_462 : vector<16xf32>
        %gather3A_469 = tpu.vector_load_idx %arg13[%get3A_306] : memref<10000xf32, #tpu.memory_space<vmem>>[vector<16xi32>], vector<16xf32>,
        %lt3A_470 = arith.cmpf olt, %gather3A_469, %max3A_463 : vector<16xf32>
        %gather3A_471 = tpu.vector_load_idx %arg14[%get3A_306] : memref<10000xf32, #tpu.memory_space<vmem>>[vector<16xi32>], vector<16xf32>,
        %lt3A_472 = arith.cmpf olt, %gather3A_471, %max3A_464 : vector<16xf32>
        tpu.vector_store_idx %arg11[%get3A_306], %max3A_461 masked %lt3A_466 : memref<10000xf32, #tpu.memory_space<vmem>>[vector<16xi32>], vector<16xf32>, vector<16xi1>
        tpu.vector_store_idx %arg12[%get3A_306], %max3A_462 masked %lt3A_468 : memref<10000xf32, #tpu.memory_space<vmem>>[vector<16xi32>], vector<16xf32>, vector<16xi1>
        tpu.vector_store_idx %arg13[%get3A_306], %max3A_463 masked %lt3A_470 : memref<10000xf32, #tpu.memory_space<vmem>>[vector<16xi32>], vector<16xf32>, vector<16xi1>
        tpu.vector_store_idx %arg14[%get3A_306], %max3A_464 masked %lt3A_472 : memref<10000xf32, #tpu.memory_space<vmem>>[vector<16xi32>], vector<16xf32>, vector<16xi1>
        %broadcast_in_dim3A_473 = arith.constant true
        %broadcast_in_dim3A_474 = vector.broadcast %broadcast_in_dim3A_473 : i1 to vector<16xi1>
        %unique3A_475, %unique3A_476 = tpu.scan_count mask(%broadcast_in_dim3A_474 : vector<16xi1>) value(%get3A_306 : vector<16xi32>) : vector<16xi1>, vector<16xi32>
        %ge3A_477 = vector.broadcast %reduce_max3A_14 : i32 to vector<16xi32>
        %ge3A_478 = arith.cmpi sge, %unique3A_476, %ge3A_477 : vector<16xi32>
        %or3A_479 = arith.ori %or3A_456, %ge3A_478 : vector<16xi1>
        scf.yield %get3A_391, %get3A_393, %gather3A_405, %gather3A_409, %gather3A_413, %gather3A_417, %get3A_397, %get3A_401, %gather3A_421, %gather3A_425, %gather3A_429, %gather3A_433, %or3A_479 : vector<16xi32>, vector<16xi32>, vector<16xf32>, vector<16xf32>, vector<16xf32>, vector<16xf32>, vector<16xi32>, vector<16xi32>, vector<16xf32>, vector<16xf32>, vector<16xf32>, vector<16xf32>, vector<16xi1>
      }
      %scan3A_167 = arith.constant 50 : i32
      %reduce_or3A = arith.constant 1.000000e+00 : f32
      %reduce_or3A_168 = arith.constant 0.000000e+00 : f32
      %reduce_or3A_169 = vector.broadcast %reduce_or3A : f32 to vector<16xf32>
      %reduce_or3A_170 = vector.broadcast %reduce_or3A_168 : f32 to vector<16xf32>
      %reduce_or3A_171 = arith.select %scan3A_166#12, %reduce_or3A_169, %reduce_or3A_170 : vector<16xi1>, vector<16xf32>
      %reduce_or3A_172 = arith.constant true
      %reduce_or3A_173 = vector.broadcast %reduce_or3A_172 : i1 to vector<16xi1>
      %reduce_or3A_174 = tpu.scan <max>, %reduce_or3A_171 masked %reduce_or3A_173 : vector<16xf32>, vector<16xi1> -> vector<16xf32>
      %reduce_or3A_175 = vector.extract %reduce_or3A_174[15] : f32 from vector<16xf32>
      %reduce_or3A_176 = arith.constant 0.000000e+00 : f32
      %reduce_or3A_177 = arith.cmpf ogt, %reduce_or3A_175, %reduce_or3A_176 : f32
      %convert_element_type3A = arith.extui %reduce_or3A_177 : i1 to i32
      %cond3A = arith.constant 0 : i32
      %cond3A_178 = arith.cmpi ne, %convert_element_type3A, %cond3A : i32
      scf.if %cond3A_178 {
        %scan3A_275 = arith.constant 0 : i32
        %scan3A_276 = arith.constant 0 : i32
        %scan3A_277 = arith.constant 50 : i32
        %scan3A_278 = arith.addi %scan3A_276, %scan3A_277 : i32
        %scan3A_279 = arith.constant 1 : i32
        scf.for %scan3A_287 = %scan3A_276 to %scan3A_278 step %scan3A_279  : i32 {
          %mul3A_288 = arith.constant 32 : i32
          %mul3A_289 = arith.muli %scan3A_287, %mul3A_288 : i32
          %add3A_290 = arith.constant 0 : i32
          %add3A_291 = arith.addi %add3A_290, %mul3A_289 : i32
          %add3A_292 = arith.constant 0 : i32
          %add3A_293 = arith.addi %add3A_291, %add3A_292 : i32
          %get3A_294 = arith.index_cast %add3A_293 : i32 to index
          %get3A_295 = tpu.vector_load %arg15[%get3A_294] {strides = array<i32>} : memref<3264xi32, #tpu.memory_space<vmem>>, vector<16xi32>,
          %get3A_296 = arith.index_cast %add3A_293 : i32 to index
          %get3A_297 = tpu.vector_load %arg16[%get3A_296] {strides = array<i32>} : memref<3264xi32, #tpu.memory_space<vmem>>, vector<16xi32>,
          %add3A_298 = arith.constant 0 : i32
          %add3A_299 = vector.broadcast %add3A_298 : i32 to vector<16xi32>
          %add3A_300 = arith.addi %get3A_295, %add3A_299 : vector<16xi32>
          %gather3A_301 = tpu.vector_load_idx %arg6[%add3A_300] : memref<40000xf32, #tpu.memory_space<vmem>>[vector<16xi32>], vector<16xf32>,
          %gather3A_302 = tpu.vector_load_idx %arg7[%get3A_297] : memref<10000xf32, #tpu.memory_space<vmem>>[vector<16xi32>], vector<16xf32>,
          %max3A = arith.maximumf %gather3A_302, %gather3A_301 : vector<16xf32>
          tpu.vector_store_idx %arg7[%get3A_297], %max3A : memref<10000xf32, #tpu.memory_space<vmem>>[vector<16xi32>], vector<16xf32>,
          %gather3A_303 = tpu.vector_load_idx %arg7[%get3A_297] : memref<10000xf32, #tpu.memory_space<vmem>>[vector<16xi32>], vector<16xf32>,
          %lt3A_304 = arith.cmpf olt, %gather3A_303, %max3A : vector<16xf32>
          %add3A_305 = arith.constant 10000 : i32
          %add3A_306 = vector.broadcast %add3A_305 : i32 to vector<16xi32>
          %add3A_307 = arith.addi %get3A_295, %add3A_306 : vector<16xi32>
          %gather3A_308 = tpu.vector_load_idx %arg6[%add3A_307] : memref<40000xf32, #tpu.memory_space<vmem>>[vector<16xi32>], vector<16xf32>,
          %gather3A_309 = tpu.vector_load_idx %arg8[%get3A_297] : memref<10000xf32, #tpu.memory_space<vmem>>[vector<16xi32>], vector<16xf32>,
          %max3A_310 = arith.maximumf %gather3A_309, %gather3A_308 : vector<16xf32>
          tpu.vector_store_idx %arg8[%get3A_297], %max3A_310 : memref<10000xf32, #tpu.memory_space<vmem>>[vector<16xi32>], vector<16xf32>,
          %gather3A_311 = tpu.vector_load_idx %arg8[%get3A_297] : memref<10000xf32, #tpu.memory_space<vmem>>[vector<16xi32>], vector<16xf32>,
          %lt3A_312 = arith.cmpf olt, %gather3A_311, %max3A_310 : vector<16xf32>
          %add3A_313 = arith.constant 20000 : i32
          %add3A_314 = vector.broadcast %add3A_313 : i32 to vector<16xi32>
          %add3A_315 = arith.addi %get3A_295, %add3A_314 : vector<16xi32>
          %gather3A_316 = tpu.vector_load_idx %arg6[%add3A_315] : memref<40000xf32, #tpu.memory_space<vmem>>[vector<16xi32>], vector<16xf32>,
          %gather3A_317 = tpu.vector_load_idx %arg9[%get3A_297] : memref<10000xf32, #tpu.memory_space<vmem>>[vector<16xi32>], vector<16xf32>,
          %max3A_318 = arith.maximumf %gather3A_317, %gather3A_316 : vector<16xf32>
          tpu.vector_store_idx %arg9[%get3A_297], %max3A_318 : memref<10000xf32, #tpu.memory_space<vmem>>[vector<16xi32>], vector<16xf32>,
          %gather3A_319 = tpu.vector_load_idx %arg9[%get3A_297] : memref<10000xf32, #tpu.memory_space<vmem>>[vector<16xi32>], vector<16xf32>,
          %lt3A_320 = arith.cmpf olt, %gather3A_319, %max3A_318 : vector<16xf32>
          %add3A_321 = arith.constant 30000 : i32
          %add3A_322 = vector.broadcast %add3A_321 : i32 to vector<16xi32>
          %add3A_323 = arith.addi %get3A_295, %add3A_322 : vector<16xi32>
          %gather3A_324 = tpu.vector_load_idx %arg6[%add3A_323] : memref<40000xf32, #tpu.memory_space<vmem>>[vector<16xi32>], vector<16xf32>,
          %gather3A_325 = tpu.vector_load_idx %arg10[%get3A_297] : memref<10000xf32, #tpu.memory_space<vmem>>[vector<16xi32>], vector<16xf32>,
          %max3A_326 = arith.maximumf %gather3A_325, %gather3A_324 : vector<16xf32>
          tpu.vector_store_idx %arg10[%get3A_297], %max3A_326 : memref<10000xf32, #tpu.memory_space<vmem>>[vector<16xi32>], vector<16xf32>,
          %gather3A_327 = tpu.vector_load_idx %arg10[%get3A_297] : memref<10000xf32, #tpu.memory_space<vmem>>[vector<16xi32>], vector<16xf32>,
          %lt3A_328 = arith.cmpf olt, %gather3A_327, %max3A_326 : vector<16xf32>
          %while3A:4 = scf.while (%while3A_329 = %lt3A_304, %while3A_330 = %lt3A_312, %while3A_331 = %lt3A_320, %while3A_332 = %lt3A_328) : (vector<16xi1>, vector<16xi1>, vector<16xi1>, vector<16xi1>) -> (vector<16xi1>, vector<16xi1>, vector<16xi1>, vector<16xi1>) {
            %or3A = arith.ori %while3A_329, %while3A_330 : vector<16xi1>
            %or3A_333 = arith.ori %or3A, %while3A_331 : vector<16xi1>
            %or3A_334 = arith.ori %or3A_333, %while3A_332 : vector<16xi1>
            %reduce_or3A_335 = arith.constant 1.000000e+00 : f32
            %reduce_or3A_336 = arith.constant 0.000000e+00 : f32
            %reduce_or3A_337 = vector.broadcast %reduce_or3A_335 : f32 to vector<16xf32>
            %reduce_or3A_338 = vector.broadcast %reduce_or3A_336 : f32 to vector<16xf32>
            %reduce_or3A_339 = arith.select %or3A_334, %reduce_or3A_337, %reduce_or3A_338 : vector<16xi1>, vector<16xf32>
            %reduce_or3A_340 = arith.constant true
            %reduce_or3A_341 = vector.broadcast %reduce_or3A_340 : i1 to vector<16xi1>
            %reduce_or3A_342 = tpu.scan <max>, %reduce_or3A_339 masked %reduce_or3A_341 : vector<16xf32>, vector<16xi1> -> vector<16xf32>
            %reduce_or3A_343 = vector.extract %reduce_or3A_342[15] : f32 from vector<16xf32>
            %reduce_or3A_344 = arith.constant 0.000000e+00 : f32
            %reduce_or3A_345 = arith.cmpf ogt, %reduce_or3A_343, %reduce_or3A_344 : f32
            scf.condition(%reduce_or3A_345) %while3A_329, %while3A_330, %while3A_331, %while3A_332 : vector<16xi1>, vector<16xi1>, vector<16xi1>, vector<16xi1>
          } do {
          ^bb0(%while3A_329: vector<16xi1>, %while3A_330: vector<16xi1>, %while3A_331: vector<16xi1>, %while3A_332: vector<16xi1>):
            tpu.vector_store_idx %arg7[%get3A_297], %max3A masked %while3A_329 : memref<10000xf32, #tpu.memory_space<vmem>>[vector<16xi32>], vector<16xf32>, vector<16xi1>
            %gather3A_333 = tpu.vector_load_idx %arg7[%get3A_297] : memref<10000xf32, #tpu.memory_space<vmem>>[vector<16xi32>], vector<16xf32>,
            %lt3A_334 = arith.cmpf olt, %gather3A_333, %max3A : vector<16xf32>
            %and3A = arith.andi %while3A_329, %lt3A_334 : vector<16xi1>
            tpu.vector_store_idx %arg8[%get3A_297], %max3A_310 masked %while3A_330 : memref<10000xf32, #tpu.memory_space<vmem>>[vector<16xi32>], vector<16xf32>, vector<16xi1>
            %gather3A_335 = tpu.vector_load_idx %arg8[%get3A_297] : memref<10000xf32, #tpu.memory_space<vmem>>[vector<16xi32>], vector<16xf32>,
            %lt3A_336 = arith.cmpf olt, %gather3A_335, %max3A_310 : vector<16xf32>
            %and3A_337 = arith.andi %while3A_330, %lt3A_336 : vector<16xi1>
            tpu.vector_store_idx %arg9[%get3A_297], %max3A_318 masked %while3A_331 : memref<10000xf32, #tpu.memory_space<vmem>>[vector<16xi32>], vector<16xf32>, vector<16xi1>
            %gather3A_338 = tpu.vector_load_idx %arg9[%get3A_297] : memref<10000xf32, #tpu.memory_space<vmem>>[vector<16xi32>], vector<16xf32>,
            %lt3A_339 = arith.cmpf olt, %gather3A_338, %max3A_318 : vector<16xf32>
            %and3A_340 = arith.andi %while3A_331, %lt3A_339 : vector<16xi1>
            tpu.vector_store_idx %arg10[%get3A_297], %max3A_326 masked %while3A_332 : memref<10000xf32, #tpu.memory_space<vmem>>[vector<16xi32>], vector<16xf32>, vector<16xi1>
            %gather3A_341 = tpu.vector_load_idx %arg10[%get3A_297] : memref<10000xf32, #tpu.memory_space<vmem>>[vector<16xi32>], vector<16xf32>,
            %lt3A_342 = arith.cmpf olt, %gather3A_341, %max3A_326 : vector<16xf32>
            %and3A_343 = arith.andi %while3A_332, %lt3A_342 : vector<16xi1>
            scf.yield %and3A, %and3A_337, %and3A_340, %and3A_343 : vector<16xi1>, vector<16xi1>, vector<16xi1>, vector<16xi1>
          }
        }
        %scan3A_280 = arith.constant 50 : i32
        %scan3A_281 = arith.constant 0 : i32
        %scan3A_282 = arith.constant 0 : i32
        %scan3A_283 = arith.constant 50 : i32
        %scan3A_284 = arith.addi %scan3A_282, %scan3A_283 : i32
        %scan3A_285 = arith.constant 1 : i32
        scf.for %scan3A_287 = %scan3A_282 to %scan3A_284 step %scan3A_285  : i32 {
          %mul3A_288 = arith.constant 32 : i32
          %mul3A_289 = arith.muli %scan3A_287, %mul3A_288 : i32
          %add3A_290 = arith.constant 0 : i32
          %add3A_291 = arith.addi %add3A_290, %mul3A_289 : i32
          %add3A_292 = arith.constant 16 : i32
          %add3A_293 = arith.addi %add3A_291, %add3A_292 : i32
          %get3A_294 = arith.index_cast %add3A_293 : i32 to index
          %get3A_295 = tpu.vector_load %arg15[%get3A_294] {strides = array<i32>} : memref<3264xi32, #tpu.memory_space<vmem>>, vector<16xi32>,
          %get3A_296 = arith.index_cast %add3A_293 : i32 to index
          %get3A_297 = tpu.vector_load %arg16[%get3A_296] {strides = array<i32>} : memref<3264xi32, #tpu.memory_space<vmem>>, vector<16xi32>,
          %add3A_298 = arith.constant 0 : i32
          %add3A_299 = vector.broadcast %add3A_298 : i32 to vector<16xi32>
          %add3A_300 = arith.addi %get3A_295, %add3A_299 : vector<16xi32>
          %gather3A_301 = tpu.vector_load_idx %arg6[%add3A_300] : memref<40000xf32, #tpu.memory_space<vmem>>[vector<16xi32>], vector<16xf32>,
          %gather3A_302 = tpu.vector_load_idx %arg11[%get3A_297] : memref<10000xf32, #tpu.memory_space<vmem>>[vector<16xi32>], vector<16xf32>,
          %max3A = arith.maximumf %gather3A_302, %gather3A_301 : vector<16xf32>
          tpu.vector_store_idx %arg11[%get3A_297], %max3A : memref<10000xf32, #tpu.memory_space<vmem>>[vector<16xi32>], vector<16xf32>,
          %gather3A_303 = tpu.vector_load_idx %arg11[%get3A_297] : memref<10000xf32, #tpu.memory_space<vmem>>[vector<16xi32>], vector<16xf32>,
          %lt3A_304 = arith.cmpf olt, %gather3A_303, %max3A : vector<16xf32>
          %add3A_305 = arith.constant 10000 : i32
          %add3A_306 = vector.broadcast %add3A_305 : i32 to vector<16xi32>
          %add3A_307 = arith.addi %get3A_295, %add3A_306 : vector<16xi32>
          %gather3A_308 = tpu.vector_load_idx %arg6[%add3A_307] : memref<40000xf32, #tpu.memory_space<vmem>>[vector<16xi32>], vector<16xf32>,
          %gather3A_309 = tpu.vector_load_idx %arg12[%get3A_297] : memref<10000xf32, #tpu.memory_space<vmem>>[vector<16xi32>], vector<16xf32>,
          %max3A_310 = arith.maximumf %gather3A_309, %gather3A_308 : vector<16xf32>
          tpu.vector_store_idx %arg12[%get3A_297], %max3A_310 : memref<10000xf32, #tpu.memory_space<vmem>>[vector<16xi32>], vector<16xf32>,
          %gather3A_311 = tpu.vector_load_idx %arg12[%get3A_297] : memref<10000xf32, #tpu.memory_space<vmem>>[vector<16xi32>], vector<16xf32>,
          %lt3A_312 = arith.cmpf olt, %gather3A_311, %max3A_310 : vector<16xf32>
          %add3A_313 = arith.constant 20000 : i32
          %add3A_314 = vector.broadcast %add3A_313 : i32 to vector<16xi32>
          %add3A_315 = arith.addi %get3A_295, %add3A_314 : vector<16xi32>
          %gather3A_316 = tpu.vector_load_idx %arg6[%add3A_315] : memref<40000xf32, #tpu.memory_space<vmem>>[vector<16xi32>], vector<16xf32>,
          %gather3A_317 = tpu.vector_load_idx %arg13[%get3A_297] : memref<10000xf32, #tpu.memory_space<vmem>>[vector<16xi32>], vector<16xf32>,
          %max3A_318 = arith.maximumf %gather3A_317, %gather3A_316 : vector<16xf32>
          tpu.vector_store_idx %arg13[%get3A_297], %max3A_318 : memref<10000xf32, #tpu.memory_space<vmem>>[vector<16xi32>], vector<16xf32>,
          %gather3A_319 = tpu.vector_load_idx %arg13[%get3A_297] : memref<10000xf32, #tpu.memory_space<vmem>>[vector<16xi32>], vector<16xf32>,
          %lt3A_320 = arith.cmpf olt, %gather3A_319, %max3A_318 : vector<16xf32>
          %add3A_321 = arith.constant 30000 : i32
          %add3A_322 = vector.broadcast %add3A_321 : i32 to vector<16xi32>
          %add3A_323 = arith.addi %get3A_295, %add3A_322 : vector<16xi32>
          %gather3A_324 = tpu.vector_load_idx %arg6[%add3A_323] : memref<40000xf32, #tpu.memory_space<vmem>>[vector<16xi32>], vector<16xf32>,
          %gather3A_325 = tpu.vector_load_idx %arg14[%get3A_297] : memref<10000xf32, #tpu.memory_space<vmem>>[vector<16xi32>], vector<16xf32>,
          %max3A_326 = arith.maximumf %gather3A_325, %gather3A_324 : vector<16xf32>
          tpu.vector_store_idx %arg14[%get3A_297], %max3A_326 : memref<10000xf32, #tpu.memory_space<vmem>>[vector<16xi32>], vector<16xf32>,
          %gather3A_327 = tpu.vector_load_idx %arg14[%get3A_297] : memref<10000xf32, #tpu.memory_space<vmem>>[vector<16xi32>], vector<16xf32>,
          %lt3A_328 = arith.cmpf olt, %gather3A_327, %max3A_326 : vector<16xf32>
          %while3A:4 = scf.while (%while3A_329 = %lt3A_304, %while3A_330 = %lt3A_312, %while3A_331 = %lt3A_320, %while3A_332 = %lt3A_328) : (vector<16xi1>, vector<16xi1>, vector<16xi1>, vector<16xi1>) -> (vector<16xi1>, vector<16xi1>, vector<16xi1>, vector<16xi1>) {
            %or3A = arith.ori %while3A_329, %while3A_330 : vector<16xi1>
            %or3A_333 = arith.ori %or3A, %while3A_331 : vector<16xi1>
            %or3A_334 = arith.ori %or3A_333, %while3A_332 : vector<16xi1>
            %reduce_or3A_335 = arith.constant 1.000000e+00 : f32
            %reduce_or3A_336 = arith.constant 0.000000e+00 : f32
            %reduce_or3A_337 = vector.broadcast %reduce_or3A_335 : f32 to vector<16xf32>
            %reduce_or3A_338 = vector.broadcast %reduce_or3A_336 : f32 to vector<16xf32>
            %reduce_or3A_339 = arith.select %or3A_334, %reduce_or3A_337, %reduce_or3A_338 : vector<16xi1>, vector<16xf32>
            %reduce_or3A_340 = arith.constant true
            %reduce_or3A_341 = vector.broadcast %reduce_or3A_340 : i1 to vector<16xi1>
            %reduce_or3A_342 = tpu.scan <max>, %reduce_or3A_339 masked %reduce_or3A_341 : vector<16xf32>, vector<16xi1> -> vector<16xf32>
            %reduce_or3A_343 = vector.extract %reduce_or3A_342[15] : f32 from vector<16xf32>
            %reduce_or3A_344 = arith.constant 0.000000e+00 : f32
            %reduce_or3A_345 = arith.cmpf ogt, %reduce_or3A_343, %reduce_or3A_344 : f32
            scf.condition(%reduce_or3A_345) %while3A_329, %while3A_330, %while3A_331, %while3A_332 : vector<16xi1>, vector<16xi1>, vector<16xi1>, vector<16xi1>
          } do {
          ^bb0(%while3A_329: vector<16xi1>, %while3A_330: vector<16xi1>, %while3A_331: vector<16xi1>, %while3A_332: vector<16xi1>):
            tpu.vector_store_idx %arg11[%get3A_297], %max3A masked %while3A_329 : memref<10000xf32, #tpu.memory_space<vmem>>[vector<16xi32>], vector<16xf32>, vector<16xi1>
            %gather3A_333 = tpu.vector_load_idx %arg11[%get3A_297] : memref<10000xf32, #tpu.memory_space<vmem>>[vector<16xi32>], vector<16xf32>,
            %lt3A_334 = arith.cmpf olt, %gather3A_333, %max3A : vector<16xf32>
            %and3A = arith.andi %while3A_329, %lt3A_334 : vector<16xi1>
            tpu.vector_store_idx %arg12[%get3A_297], %max3A_310 masked %while3A_330 : memref<10000xf32, #tpu.memory_space<vmem>>[vector<16xi32>], vector<16xf32>, vector<16xi1>
            %gather3A_335 = tpu.vector_load_idx %arg12[%get3A_297] : memref<10000xf32, #tpu.memory_space<vmem>>[vector<16xi32>], vector<16xf32>,
            %lt3A_336 = arith.cmpf olt, %gather3A_335, %max3A_310 : vector<16xf32>
            %and3A_337 = arith.andi %while3A_330, %lt3A_336 : vector<16xi1>
            tpu.vector_store_idx %arg13[%get3A_297], %max3A_318 masked %while3A_331 : memref<10000xf32, #tpu.memory_space<vmem>>[vector<16xi32>], vector<16xf32>, vector<16xi1>
            %gather3A_338 = tpu.vector_load_idx %arg13[%get3A_297] : memref<10000xf32, #tpu.memory_space<vmem>>[vector<16xi32>], vector<16xf32>,
            %lt3A_339 = arith.cmpf olt, %gather3A_338, %max3A_318 : vector<16xf32>
            %and3A_340 = arith.andi %while3A_331, %lt3A_339 : vector<16xi1>
            tpu.vector_store_idx %arg14[%get3A_297], %max3A_326 masked %while3A_332 : memref<10000xf32, #tpu.memory_space<vmem>>[vector<16xi32>], vector<16xf32>, vector<16xi1>
            %gather3A_341 = tpu.vector_load_idx %arg14[%get3A_297] : memref<10000xf32, #tpu.memory_space<vmem>>[vector<16xi32>], vector<16xf32>,
            %lt3A_342 = arith.cmpf olt, %gather3A_341, %max3A_326 : vector<16xf32>
            %and3A_343 = arith.andi %while3A_332, %lt3A_342 : vector<16xi1>
            scf.yield %and3A, %and3A_337, %and3A_340, %and3A_343 : vector<16xi1>, vector<16xi1>, vector<16xi1>, vector<16xi1>
          }
        }
        %scan3A_286 = arith.constant 50 : i32
      } else {
      }
      %add3A_179 = arith.constant 2 : i32
      %add3A_180 = arith.addi %add3A_106, %add3A_179 : i32
      %lt3A_181 = arith.constant 200 : i32
      %lt3A_182 = arith.cmpi slt, %add3A_180, %lt3A_181 : i32
      %convert_element_type3A_183 = arith.extui %lt3A_182 : i1 to i32
      %cond3A_184 = arith.constant 0 : i32
      %cond3A_185 = arith.cmpi ne, %convert_element_type3A_183, %cond3A_184 : i32
      scf.if %cond3A_185 {
        %add3A_275 = arith.constant 2 : i32
        %add3A_276 = arith.addi %add3A_106, %add3A_275 : i32
        %mul3A_277 = arith.constant 1600 : i32
        %mul3A_278 = arith.muli %add3A_276, %mul3A_277 : i32
        %dma_start3A_279 = arith.constant 0 : i32
        %dma_start3A_280 = tpu.memref_slice %arg15[%dma_start3A_279] : memref<3264xi32, #tpu.memory_space<vmem>> -> memref<1600xi32, #tpu.memory_space<vmem>>
        %dma_start3A_281 = tpu.memref_slice %arg3[%mul3A_278] : memref<320000xi32, #tpu.memory_space<hbm>> -> memref<1600xi32, #tpu.memory_space<hbm>>
        %dma_start3A_282 = arith.constant 0 : i32
        %dma_start3A_283 = tpu.memref_slice %arg15[%dma_start3A_282] : memref<3264xi32, #tpu.memory_space<vmem>> -> memref<1600xi32, #tpu.memory_space<vmem>>
        %dma_start3A_284 = tpu.memref_slice %arg3[%mul3A_278] : memref<320000xi32, #tpu.memory_space<hbm>> -> memref<1600xi32, #tpu.memory_space<hbm>>
        tpu.enqueue_dma source(%dma_start3A_284 : memref<1600xi32, #tpu.memory_space<hbm>>) target(%dma_start3A_283 : memref<1600xi32, #tpu.memory_space<vmem>>) target_semaphore(%arg17 : memref<!tpu.dma_semaphore, #tpu.memory_space<semaphore_mem>>)
        %mul3A_285 = arith.constant 1600 : i32
        %mul3A_286 = arith.muli %add3A_276, %mul3A_285 : i32
        %dma_start3A_287 = arith.constant 0 : i32
        %dma_start3A_288 = tpu.memref_slice %arg16[%dma_start3A_287] : memref<3264xi32, #tpu.memory_space<vmem>> -> memref<1600xi32, #tpu.memory_space<vmem>>
        %dma_start3A_289 = tpu.memref_slice %arg4[%mul3A_286] : memref<320000xi32, #tpu.memory_space<hbm>> -> memref<1600xi32, #tpu.memory_space<hbm>>
        %dma_start3A_290 = arith.constant 0 : i32
        %dma_start3A_291 = tpu.memref_slice %arg16[%dma_start3A_290] : memref<3264xi32, #tpu.memory_space<vmem>> -> memref<1600xi32, #tpu.memory_space<vmem>>
        %dma_start3A_292 = tpu.memref_slice %arg4[%mul3A_286] : memref<320000xi32, #tpu.memory_space<hbm>> -> memref<1600xi32, #tpu.memory_space<hbm>>
        tpu.enqueue_dma source(%dma_start3A_292 : memref<1600xi32, #tpu.memory_space<hbm>>) target(%dma_start3A_291 : memref<1600xi32, #tpu.memory_space<vmem>>) target_semaphore(%arg19 : memref<!tpu.dma_semaphore, #tpu.memory_space<semaphore_mem>>)
      } else {
      }
      %mul3A_186 = arith.constant 2 : i32
      %mul3A_187 = arith.muli %scan3A_102, %mul3A_186 : i32
      %add3A_188 = arith.constant 1 : i32
      %add3A_189 = arith.addi %mul3A_187, %add3A_188 : i32
      %mul3A_190 = arith.constant 1600 : i32
      %mul3A_191 = arith.muli %add3A_189, %mul3A_190 : i32
      %dma_wait3A_192 = arith.constant 1632 : i32
      %dma_wait3A_193 = tpu.memref_slice %arg15[%dma_wait3A_192] : memref<3264xi32, #tpu.memory_space<vmem>> -> memref<1600xi32, #tpu.memory_space<vmem>>
      %dma_wait3A_194 = tpu.memref_slice %arg3[%mul3A_191] : memref<320000xi32, #tpu.memory_space<hbm>> -> memref<1600xi32, #tpu.memory_space<hbm>>
      %dma_wait3A_195 = arith.constant 1632 : i32
      %dma_wait3A_196 = tpu.memref_slice %arg15[%dma_wait3A_195] : memref<3264xi32, #tpu.memory_space<vmem>> -> memref<1600xi32, #tpu.memory_space<vmem>>
      %dma_wait3A_197 = tpu.memref_slice %arg3[%mul3A_191] : memref<320000xi32, #tpu.memory_space<hbm>> -> memref<1600xi32, #tpu.memory_space<hbm>>
      tpu.wait_dma2 semaphore(%arg18 : memref<!tpu.dma_semaphore, #tpu.memory_space<semaphore_mem>>) src(%dma_wait3A_197 : memref<1600xi32, #tpu.memory_space<hbm>>) dst(%dma_wait3A_196 : memref<1600xi32, #tpu.memory_space<vmem>>)
      %mul3A_198 = arith.constant 1600 : i32
      %mul3A_199 = arith.muli %add3A_189, %mul3A_198 : i32
      %dma_wait3A_200 = arith.constant 1632 : i32
      %dma_wait3A_201 = tpu.memref_slice %arg16[%dma_wait3A_200] : memref<3264xi32, #tpu.memory_space<vmem>> -> memref<1600xi32, #tpu.memory_space<vmem>>
      %dma_wait3A_202 = tpu.memref_slice %arg4[%mul3A_199] : memref<320000xi32, #tpu.memory_space<hbm>> -> memref<1600xi32, #tpu.memory_space<hbm>>
      %dma_wait3A_203 = arith.constant 1632 : i32
      %dma_wait3A_204 = tpu.memref_slice %arg16[%dma_wait3A_203] : memref<3264xi32, #tpu.memory_space<vmem>> -> memref<1600xi32, #tpu.memory_space<vmem>>
      %dma_wait3A_205 = tpu.memref_slice %arg4[%mul3A_199] : memref<320000xi32, #tpu.memory_space<hbm>> -> memref<1600xi32, #tpu.memory_space<hbm>>
      tpu.wait_dma2 semaphore(%arg20 : memref<!tpu.dma_semaphore, #tpu.memory_space<semaphore_mem>>) src(%dma_wait3A_205 : memref<1600xi32, #tpu.memory_space<hbm>>) dst(%dma_wait3A_204 : memref<1600xi32, #tpu.memory_space<vmem>>)
      %get3A_206 = arith.constant 1632 : index
      %get3A_207 = tpu.vector_load %arg15[%get3A_206] {strides = array<i32>} : memref<3264xi32, #tpu.memory_space<vmem>>, vector<16xi32>,
      %get3A_208 = arith.constant 1632 : index
      %get3A_209 = tpu.vector_load %arg16[%get3A_208] {strides = array<i32>} : memref<3264xi32, #tpu.memory_space<vmem>>, vector<16xi32>,
      %get3A_210 = arith.constant 1648 : index
      %get3A_211 = tpu.vector_load %arg15[%get3A_210] {strides = array<i32>} : memref<3264xi32, #tpu.memory_space<vmem>>, vector<16xi32>,
      %get3A_212 = arith.constant 1648 : index
      %get3A_213 = tpu.vector_load %arg16[%get3A_212] {strides = array<i32>} : memref<3264xi32, #tpu.memory_space<vmem>>, vector<16xi32>,
      %add3A_214 = arith.constant 0 : i32
      %add3A_215 = vector.broadcast %add3A_214 : i32 to vector<16xi32>
      %add3A_216 = arith.addi %get3A_207, %add3A_215 : vector<16xi32>
      %gather3A_217 = tpu.vector_load_idx %arg6[%add3A_216] : memref<40000xf32, #tpu.memory_space<vmem>>[vector<16xi32>], vector<16xf32>,
      %add3A_218 = arith.constant 10000 : i32
      %add3A_219 = vector.broadcast %add3A_218 : i32 to vector<16xi32>
      %add3A_220 = arith.addi %get3A_207, %add3A_219 : vector<16xi32>
      %gather3A_221 = tpu.vector_load_idx %arg6[%add3A_220] : memref<40000xf32, #tpu.memory_space<vmem>>[vector<16xi32>], vector<16xf32>,
      %add3A_222 = arith.constant 20000 : i32
      %add3A_223 = vector.broadcast %add3A_222 : i32 to vector<16xi32>
      %add3A_224 = arith.addi %get3A_207, %add3A_223 : vector<16xi32>
      %gather3A_225 = tpu.vector_load_idx %arg6[%add3A_224] : memref<40000xf32, #tpu.memory_space<vmem>>[vector<16xi32>], vector<16xf32>,
      %add3A_226 = arith.constant 30000 : i32
      %add3A_227 = vector.broadcast %add3A_226 : i32 to vector<16xi32>
      %add3A_228 = arith.addi %get3A_207, %add3A_227 : vector<16xi32>
      %gather3A_229 = tpu.vector_load_idx %arg6[%add3A_228] : memref<40000xf32, #tpu.memory_space<vmem>>[vector<16xi32>], vector<16xf32>,
      %add3A_230 = arith.constant 0 : i32
      %add3A_231 = vector.broadcast %add3A_230 : i32 to vector<16xi32>
      %add3A_232 = arith.addi %get3A_211, %add3A_231 : vector<16xi32>
      %gather3A_233 = tpu.vector_load_idx %arg6[%add3A_232] : memref<40000xf32, #tpu.memory_space<vmem>>[vector<16xi32>], vector<16xf32>,
      %add3A_234 = arith.constant 10000 : i32
      %add3A_235 = vector.broadcast %add3A_234 : i32 to vector<16xi32>
      %add3A_236 = arith.addi %get3A_211, %add3A_235 : vector<16xi32>
      %gather3A_237 = tpu.vector_load_idx %arg6[%add3A_236] : memref<40000xf32, #tpu.memory_space<vmem>>[vector<16xi32>], vector<16xf32>,
      %add3A_238 = arith.constant 20000 : i32
      %add3A_239 = vector.broadcast %add3A_238 : i32 to vector<16xi32>
      %add3A_240 = arith.addi %get3A_211, %add3A_239 : vector<16xi32>
      %gather3A_241 = tpu.vector_load_idx %arg6[%add3A_240] : memref<40000xf32, #tpu.memory_space<vmem>>[vector<16xi32>], vector<16xf32>,
      %add3A_242 = arith.constant 30000 : i32
      %add3A_243 = vector.broadcast %add3A_242 : i32 to vector<16xi32>
      %add3A_244 = arith.addi %get3A_211, %add3A_243 : vector<16xi32>
      %gather3A_245 = tpu.vector_load_idx %arg6[%add3A_244] : memref<40000xf32, #tpu.memory_space<vmem>>[vector<16xi32>], vector<16xf32>,
      %broadcast_in_dim3A_246 = arith.constant false
      %broadcast_in_dim3A_247 = vector.broadcast %broadcast_in_dim3A_246 : i1 to vector<16xi1>
      %scan3A_248 = arith.constant 0 : i32
      %scan3A_249 = arith.constant 50 : i32
      %scan3A_250 = arith.addi %scan3A_248, %scan3A_249 : i32
      %scan3A_251 = arith.constant 2 : i32
      %scan3A_252:13 = scf.for %scan3A_275 = %scan3A_248 to %scan3A_250 step %scan3A_251 iter_args(%scan3A_276 = %get3A_207, %scan3A_277 = %get3A_209, %scan3A_278 = %gather3A_217, %scan3A_279 = %gather3A_221, %scan3A_280 = %gather3A_225, %scan3A_281 = %gather3A_229, %scan3A_282 = %get3A_211, %scan3A_283 = %get3A_213, %scan3A_284 = %gather3A_233, %scan3A_285 = %gather3A_237, %scan3A_286 = %gather3A_241, %scan3A_287 = %gather3A_245, %scan3A_288 = %broadcast_in_dim3A_247) -> (vector<16xi32>, vector<16xi32>, vector<16xf32>, vector<16xf32>, vector<16xf32>, vector<16xf32>, vector<16xi32>, vector<16xi32>, vector<16xf32>, vector<16xf32>, vector<16xf32>, vector<16xf32>, vector<16xi1>)  : i32 {
        %add3A_289 = arith.constant 1 : i32
        %add3A_290 = arith.addi %scan3A_275, %add3A_289 : i32
        %mul3A_291 = arith.constant 32 : i32
        %mul3A_292 = arith.muli %add3A_290, %mul3A_291 : i32
        %add3A_293 = arith.constant 1632 : i32
        %add3A_294 = arith.addi %add3A_293, %mul3A_292 : i32
        %get3A_295 = arith.index_cast %add3A_294 : i32 to index
        %get3A_296 = tpu.vector_load %arg15[%get3A_295] {strides = array<i32>} : memref<3264xi32, #tpu.memory_space<vmem>>, vector<16xi32>,
        %get3A_297 = arith.index_cast %add3A_294 : i32 to index
        %get3A_298 = tpu.vector_load %arg16[%get3A_297] {strides = array<i32>} : memref<3264xi32, #tpu.memory_space<vmem>>, vector<16xi32>,
        %add3A_299 = arith.constant 16 : i32
        %add3A_300 = arith.addi %add3A_294, %add3A_299 : i32
        %get3A_301 = arith.index_cast %add3A_300 : i32 to index
        %get3A_302 = tpu.vector_load %arg15[%get3A_301] {strides = array<i32>} : memref<3264xi32, #tpu.memory_space<vmem>>, vector<16xi32>,
        %add3A_303 = arith.constant 16 : i32
        %add3A_304 = arith.addi %add3A_294, %add3A_303 : i32
        %get3A_305 = arith.index_cast %add3A_304 : i32 to index
        %get3A_306 = tpu.vector_load %arg16[%get3A_305] {strides = array<i32>} : memref<3264xi32, #tpu.memory_space<vmem>>, vector<16xi32>,
        %add3A_307 = arith.constant 0 : i32
        %add3A_308 = vector.broadcast %add3A_307 : i32 to vector<16xi32>
        %add3A_309 = arith.addi %get3A_296, %add3A_308 : vector<16xi32>
        %gather3A_310 = tpu.vector_load_idx %arg6[%add3A_309] : memref<40000xf32, #tpu.memory_space<vmem>>[vector<16xi32>], vector<16xf32>,
        %add3A_311 = arith.constant 10000 : i32
        %add3A_312 = vector.broadcast %add3A_311 : i32 to vector<16xi32>
        %add3A_313 = arith.addi %get3A_296, %add3A_312 : vector<16xi32>
        %gather3A_314 = tpu.vector_load_idx %arg6[%add3A_313] : memref<40000xf32, #tpu.memory_space<vmem>>[vector<16xi32>], vector<16xf32>,
        %add3A_315 = arith.constant 20000 : i32
        %add3A_316 = vector.broadcast %add3A_315 : i32 to vector<16xi32>
        %add3A_317 = arith.addi %get3A_296, %add3A_316 : vector<16xi32>
        %gather3A_318 = tpu.vector_load_idx %arg6[%add3A_317] : memref<40000xf32, #tpu.memory_space<vmem>>[vector<16xi32>], vector<16xf32>,
        %add3A_319 = arith.constant 30000 : i32
        %add3A_320 = vector.broadcast %add3A_319 : i32 to vector<16xi32>
        %add3A_321 = arith.addi %get3A_296, %add3A_320 : vector<16xi32>
        %gather3A_322 = tpu.vector_load_idx %arg6[%add3A_321] : memref<40000xf32, #tpu.memory_space<vmem>>[vector<16xi32>], vector<16xf32>,
        %add3A_323 = arith.constant 0 : i32
        %add3A_324 = vector.broadcast %add3A_323 : i32 to vector<16xi32>
        %add3A_325 = arith.addi %get3A_302, %add3A_324 : vector<16xi32>
        %gather3A_326 = tpu.vector_load_idx %arg6[%add3A_325] : memref<40000xf32, #tpu.memory_space<vmem>>[vector<16xi32>], vector<16xf32>,
        %add3A_327 = arith.constant 10000 : i32
        %add3A_328 = vector.broadcast %add3A_327 : i32 to vector<16xi32>
        %add3A_329 = arith.addi %get3A_302, %add3A_328 : vector<16xi32>
        %gather3A_330 = tpu.vector_load_idx %arg6[%add3A_329] : memref<40000xf32, #tpu.memory_space<vmem>>[vector<16xi32>], vector<16xf32>,
        %add3A_331 = arith.constant 20000 : i32
        %add3A_332 = vector.broadcast %add3A_331 : i32 to vector<16xi32>
        %add3A_333 = arith.addi %get3A_302, %add3A_332 : vector<16xi32>
        %gather3A_334 = tpu.vector_load_idx %arg6[%add3A_333] : memref<40000xf32, #tpu.memory_space<vmem>>[vector<16xi32>], vector<16xf32>,
        %add3A_335 = arith.constant 30000 : i32
        %add3A_336 = vector.broadcast %add3A_335 : i32 to vector<16xi32>
        %add3A_337 = arith.addi %get3A_302, %add3A_336 : vector<16xi32>
        %gather3A_338 = tpu.vector_load_idx %arg6[%add3A_337] : memref<40000xf32, #tpu.memory_space<vmem>>[vector<16xi32>], vector<16xf32>,
        %gather3A_339 = tpu.vector_load_idx %arg7[%scan3A_277] : memref<10000xf32, #tpu.memory_space<vmem>>[vector<16xi32>], vector<16xf32>,
        %gather3A_340 = tpu.vector_load_idx %arg8[%scan3A_277] : memref<10000xf32, #tpu.memory_space<vmem>>[vector<16xi32>], vector<16xf32>,
        %gather3A_341 = tpu.vector_load_idx %arg9[%scan3A_277] : memref<10000xf32, #tpu.memory_space<vmem>>[vector<16xi32>], vector<16xf32>,
        %gather3A_342 = tpu.vector_load_idx %arg10[%scan3A_277] : memref<10000xf32, #tpu.memory_space<vmem>>[vector<16xi32>], vector<16xf32>,
        %max3A = arith.maximumf %gather3A_339, %scan3A_278 : vector<16xf32>
        %max3A_343 = arith.maximumf %gather3A_340, %scan3A_279 : vector<16xf32>
        %max3A_344 = arith.maximumf %gather3A_341, %scan3A_280 : vector<16xf32>
        %max3A_345 = arith.maximumf %gather3A_342, %scan3A_281 : vector<16xf32>
        tpu.vector_store_idx %arg7[%scan3A_277], %max3A : memref<10000xf32, #tpu.memory_space<vmem>>[vector<16xi32>], vector<16xf32>,
        tpu.vector_store_idx %arg8[%scan3A_277], %max3A_343 : memref<10000xf32, #tpu.memory_space<vmem>>[vector<16xi32>], vector<16xf32>,
        tpu.vector_store_idx %arg9[%scan3A_277], %max3A_344 : memref<10000xf32, #tpu.memory_space<vmem>>[vector<16xi32>], vector<16xf32>,
        tpu.vector_store_idx %arg10[%scan3A_277], %max3A_345 : memref<10000xf32, #tpu.memory_space<vmem>>[vector<16xi32>], vector<16xf32>,
        %gather3A_346 = tpu.vector_load_idx %arg7[%scan3A_277] : memref<10000xf32, #tpu.memory_space<vmem>>[vector<16xi32>], vector<16xf32>,
        %lt3A_347 = arith.cmpf olt, %gather3A_346, %max3A : vector<16xf32>
        %gather3A_348 = tpu.vector_load_idx %arg8[%scan3A_277] : memref<10000xf32, #tpu.memory_space<vmem>>[vector<16xi32>], vector<16xf32>,
        %lt3A_349 = arith.cmpf olt, %gather3A_348, %max3A_343 : vector<16xf32>
        %gather3A_350 = tpu.vector_load_idx %arg9[%scan3A_277] : memref<10000xf32, #tpu.memory_space<vmem>>[vector<16xi32>], vector<16xf32>,
        %lt3A_351 = arith.cmpf olt, %gather3A_350, %max3A_344 : vector<16xf32>
        %gather3A_352 = tpu.vector_load_idx %arg10[%scan3A_277] : memref<10000xf32, #tpu.memory_space<vmem>>[vector<16xi32>], vector<16xf32>,
        %lt3A_353 = arith.cmpf olt, %gather3A_352, %max3A_345 : vector<16xf32>
        tpu.vector_store_idx %arg7[%scan3A_277], %max3A masked %lt3A_347 : memref<10000xf32, #tpu.memory_space<vmem>>[vector<16xi32>], vector<16xf32>, vector<16xi1>
        tpu.vector_store_idx %arg8[%scan3A_277], %max3A_343 masked %lt3A_349 : memref<10000xf32, #tpu.memory_space<vmem>>[vector<16xi32>], vector<16xf32>, vector<16xi1>
        tpu.vector_store_idx %arg9[%scan3A_277], %max3A_344 masked %lt3A_351 : memref<10000xf32, #tpu.memory_space<vmem>>[vector<16xi32>], vector<16xf32>, vector<16xi1>
        tpu.vector_store_idx %arg10[%scan3A_277], %max3A_345 masked %lt3A_353 : memref<10000xf32, #tpu.memory_space<vmem>>[vector<16xi32>], vector<16xf32>, vector<16xi1>
        %broadcast_in_dim3A_354 = arith.constant true
        %broadcast_in_dim3A_355 = vector.broadcast %broadcast_in_dim3A_354 : i1 to vector<16xi1>
        %unique3A_356, %unique3A_357 = tpu.scan_count mask(%broadcast_in_dim3A_355 : vector<16xi1>) value(%scan3A_277 : vector<16xi32>) : vector<16xi1>, vector<16xi32>
        %ge3A = vector.broadcast %reduce_max3A_14 : i32 to vector<16xi32>
        %ge3A_358 = arith.cmpi sge, %unique3A_357, %ge3A : vector<16xi32>
        %or3A = arith.ori %scan3A_288, %ge3A_358 : vector<16xi1>
        %gather3A_359 = tpu.vector_load_idx %arg11[%scan3A_283] : memref<10000xf32, #tpu.memory_space<vmem>>[vector<16xi32>], vector<16xf32>,
        %gather3A_360 = tpu.vector_load_idx %arg12[%scan3A_283] : memref<10000xf32, #tpu.memory_space<vmem>>[vector<16xi32>], vector<16xf32>,
        %gather3A_361 = tpu.vector_load_idx %arg13[%scan3A_283] : memref<10000xf32, #tpu.memory_space<vmem>>[vector<16xi32>], vector<16xf32>,
        %gather3A_362 = tpu.vector_load_idx %arg14[%scan3A_283] : memref<10000xf32, #tpu.memory_space<vmem>>[vector<16xi32>], vector<16xf32>,
        %max3A_363 = arith.maximumf %gather3A_359, %scan3A_284 : vector<16xf32>
        %max3A_364 = arith.maximumf %gather3A_360, %scan3A_285 : vector<16xf32>
        %max3A_365 = arith.maximumf %gather3A_361, %scan3A_286 : vector<16xf32>
        %max3A_366 = arith.maximumf %gather3A_362, %scan3A_287 : vector<16xf32>
        tpu.vector_store_idx %arg11[%scan3A_283], %max3A_363 : memref<10000xf32, #tpu.memory_space<vmem>>[vector<16xi32>], vector<16xf32>,
        tpu.vector_store_idx %arg12[%scan3A_283], %max3A_364 : memref<10000xf32, #tpu.memory_space<vmem>>[vector<16xi32>], vector<16xf32>,
        tpu.vector_store_idx %arg13[%scan3A_283], %max3A_365 : memref<10000xf32, #tpu.memory_space<vmem>>[vector<16xi32>], vector<16xf32>,
        tpu.vector_store_idx %arg14[%scan3A_283], %max3A_366 : memref<10000xf32, #tpu.memory_space<vmem>>[vector<16xi32>], vector<16xf32>,
        %gather3A_367 = tpu.vector_load_idx %arg11[%scan3A_283] : memref<10000xf32, #tpu.memory_space<vmem>>[vector<16xi32>], vector<16xf32>,
        %lt3A_368 = arith.cmpf olt, %gather3A_367, %max3A_363 : vector<16xf32>
        %gather3A_369 = tpu.vector_load_idx %arg12[%scan3A_283] : memref<10000xf32, #tpu.memory_space<vmem>>[vector<16xi32>], vector<16xf32>,
        %lt3A_370 = arith.cmpf olt, %gather3A_369, %max3A_364 : vector<16xf32>
        %gather3A_371 = tpu.vector_load_idx %arg13[%scan3A_283] : memref<10000xf32, #tpu.memory_space<vmem>>[vector<16xi32>], vector<16xf32>,
        %lt3A_372 = arith.cmpf olt, %gather3A_371, %max3A_365 : vector<16xf32>
        %gather3A_373 = tpu.vector_load_idx %arg14[%scan3A_283] : memref<10000xf32, #tpu.memory_space<vmem>>[vector<16xi32>], vector<16xf32>,
        %lt3A_374 = arith.cmpf olt, %gather3A_373, %max3A_366 : vector<16xf32>
        tpu.vector_store_idx %arg11[%scan3A_283], %max3A_363 masked %lt3A_368 : memref<10000xf32, #tpu.memory_space<vmem>>[vector<16xi32>], vector<16xf32>, vector<16xi1>
        tpu.vector_store_idx %arg12[%scan3A_283], %max3A_364 masked %lt3A_370 : memref<10000xf32, #tpu.memory_space<vmem>>[vector<16xi32>], vector<16xf32>, vector<16xi1>
        tpu.vector_store_idx %arg13[%scan3A_283], %max3A_365 masked %lt3A_372 : memref<10000xf32, #tpu.memory_space<vmem>>[vector<16xi32>], vector<16xf32>, vector<16xi1>
        tpu.vector_store_idx %arg14[%scan3A_283], %max3A_366 masked %lt3A_374 : memref<10000xf32, #tpu.memory_space<vmem>>[vector<16xi32>], vector<16xf32>, vector<16xi1>
        %broadcast_in_dim3A_375 = arith.constant true
        %broadcast_in_dim3A_376 = vector.broadcast %broadcast_in_dim3A_375 : i1 to vector<16xi1>
        %unique3A_377, %unique3A_378 = tpu.scan_count mask(%broadcast_in_dim3A_376 : vector<16xi1>) value(%scan3A_283 : vector<16xi32>) : vector<16xi1>, vector<16xi32>
        %ge3A_379 = vector.broadcast %reduce_max3A_14 : i32 to vector<16xi32>
        %ge3A_380 = arith.cmpi sge, %unique3A_378, %ge3A_379 : vector<16xi32>
        %or3A_381 = arith.ori %or3A, %ge3A_380 : vector<16xi1>
        %scan3A_382 = arith.constant 1 : i32
        %scan3A_383 = arith.addi %scan3A_275, %scan3A_382 : i32
        %add3A_384 = arith.constant 1 : i32
        %add3A_385 = arith.addi %scan3A_383, %add3A_384 : i32
        %mul3A_386 = arith.constant 32 : i32
        %mul3A_387 = arith.muli %add3A_385, %mul3A_386 : i32
        %add3A_388 = arith.constant 1632 : i32
        %add3A_389 = arith.addi %add3A_388, %mul3A_387 : i32
        %get3A_390 = arith.index_cast %add3A_389 : i32 to index
        %get3A_391 = tpu.vector_load %arg15[%get3A_390] {strides = array<i32>} : memref<3264xi32, #tpu.memory_space<vmem>>, vector<16xi32>,
        %get3A_392 = arith.index_cast %add3A_389 : i32 to index
        %get3A_393 = tpu.vector_load %arg16[%get3A_392] {strides = array<i32>} : memref<3264xi32, #tpu.memory_space<vmem>>, vector<16xi32>,
        %add3A_394 = arith.constant 16 : i32
        %add3A_395 = arith.addi %add3A_389, %add3A_394 : i32
        %get3A_396 = arith.index_cast %add3A_395 : i32 to index
        %get3A_397 = tpu.vector_load %arg15[%get3A_396] {strides = array<i32>} : memref<3264xi32, #tpu.memory_space<vmem>>, vector<16xi32>,
        %add3A_398 = arith.constant 16 : i32
        %add3A_399 = arith.addi %add3A_389, %add3A_398 : i32
        %get3A_400 = arith.index_cast %add3A_399 : i32 to index
        %get3A_401 = tpu.vector_load %arg16[%get3A_400] {strides = array<i32>} : memref<3264xi32, #tpu.memory_space<vmem>>, vector<16xi32>,
        %add3A_402 = arith.constant 0 : i32
        %add3A_403 = vector.broadcast %add3A_402 : i32 to vector<16xi32>
        %add3A_404 = arith.addi %get3A_391, %add3A_403 : vector<16xi32>
        %gather3A_405 = tpu.vector_load_idx %arg6[%add3A_404] : memref<40000xf32, #tpu.memory_space<vmem>>[vector<16xi32>], vector<16xf32>,
        %add3A_406 = arith.constant 10000 : i32
        %add3A_407 = vector.broadcast %add3A_406 : i32 to vector<16xi32>
        %add3A_408 = arith.addi %get3A_391, %add3A_407 : vector<16xi32>
        %gather3A_409 = tpu.vector_load_idx %arg6[%add3A_408] : memref<40000xf32, #tpu.memory_space<vmem>>[vector<16xi32>], vector<16xf32>,
        %add3A_410 = arith.constant 20000 : i32
        %add3A_411 = vector.broadcast %add3A_410 : i32 to vector<16xi32>
        %add3A_412 = arith.addi %get3A_391, %add3A_411 : vector<16xi32>
        %gather3A_413 = tpu.vector_load_idx %arg6[%add3A_412] : memref<40000xf32, #tpu.memory_space<vmem>>[vector<16xi32>], vector<16xf32>,
        %add3A_414 = arith.constant 30000 : i32
        %add3A_415 = vector.broadcast %add3A_414 : i32 to vector<16xi32>
        %add3A_416 = arith.addi %get3A_391, %add3A_415 : vector<16xi32>
        %gather3A_417 = tpu.vector_load_idx %arg6[%add3A_416] : memref<40000xf32, #tpu.memory_space<vmem>>[vector<16xi32>], vector<16xf32>,
        %add3A_418 = arith.constant 0 : i32
        %add3A_419 = vector.broadcast %add3A_418 : i32 to vector<16xi32>
        %add3A_420 = arith.addi %get3A_397, %add3A_419 : vector<16xi32>
        %gather3A_421 = tpu.vector_load_idx %arg6[%add3A_420] : memref<40000xf32, #tpu.memory_space<vmem>>[vector<16xi32>], vector<16xf32>,
        %add3A_422 = arith.constant 10000 : i32
        %add3A_423 = vector.broadcast %add3A_422 : i32 to vector<16xi32>
        %add3A_424 = arith.addi %get3A_397, %add3A_423 : vector<16xi32>
        %gather3A_425 = tpu.vector_load_idx %arg6[%add3A_424] : memref<40000xf32, #tpu.memory_space<vmem>>[vector<16xi32>], vector<16xf32>,
        %add3A_426 = arith.constant 20000 : i32
        %add3A_427 = vector.broadcast %add3A_426 : i32 to vector<16xi32>
        %add3A_428 = arith.addi %get3A_397, %add3A_427 : vector<16xi32>
        %gather3A_429 = tpu.vector_load_idx %arg6[%add3A_428] : memref<40000xf32, #tpu.memory_space<vmem>>[vector<16xi32>], vector<16xf32>,
        %add3A_430 = arith.constant 30000 : i32
        %add3A_431 = vector.broadcast %add3A_430 : i32 to vector<16xi32>
        %add3A_432 = arith.addi %get3A_397, %add3A_431 : vector<16xi32>
        %gather3A_433 = tpu.vector_load_idx %arg6[%add3A_432] : memref<40000xf32, #tpu.memory_space<vmem>>[vector<16xi32>], vector<16xf32>,
        %gather3A_434 = tpu.vector_load_idx %arg7[%get3A_298] : memref<10000xf32, #tpu.memory_space<vmem>>[vector<16xi32>], vector<16xf32>,
        %gather3A_435 = tpu.vector_load_idx %arg8[%get3A_298] : memref<10000xf32, #tpu.memory_space<vmem>>[vector<16xi32>], vector<16xf32>,
        %gather3A_436 = tpu.vector_load_idx %arg9[%get3A_298] : memref<10000xf32, #tpu.memory_space<vmem>>[vector<16xi32>], vector<16xf32>,
        %gather3A_437 = tpu.vector_load_idx %arg10[%get3A_298] : memref<10000xf32, #tpu.memory_space<vmem>>[vector<16xi32>], vector<16xf32>,
        %max3A_438 = arith.maximumf %gather3A_434, %gather3A_310 : vector<16xf32>
        %max3A_439 = arith.maximumf %gather3A_435, %gather3A_314 : vector<16xf32>
        %max3A_440 = arith.maximumf %gather3A_436, %gather3A_318 : vector<16xf32>
        %max3A_441 = arith.maximumf %gather3A_437, %gather3A_322 : vector<16xf32>
        tpu.vector_store_idx %arg7[%get3A_298], %max3A_438 : memref<10000xf32, #tpu.memory_space<vmem>>[vector<16xi32>], vector<16xf32>,
        tpu.vector_store_idx %arg8[%get3A_298], %max3A_439 : memref<10000xf32, #tpu.memory_space<vmem>>[vector<16xi32>], vector<16xf32>,
        tpu.vector_store_idx %arg9[%get3A_298], %max3A_440 : memref<10000xf32, #tpu.memory_space<vmem>>[vector<16xi32>], vector<16xf32>,
        tpu.vector_store_idx %arg10[%get3A_298], %max3A_441 : memref<10000xf32, #tpu.memory_space<vmem>>[vector<16xi32>], vector<16xf32>,
        %gather3A_442 = tpu.vector_load_idx %arg7[%get3A_298] : memref<10000xf32, #tpu.memory_space<vmem>>[vector<16xi32>], vector<16xf32>,
        %lt3A_443 = arith.cmpf olt, %gather3A_442, %max3A_438 : vector<16xf32>
        %gather3A_444 = tpu.vector_load_idx %arg8[%get3A_298] : memref<10000xf32, #tpu.memory_space<vmem>>[vector<16xi32>], vector<16xf32>,
        %lt3A_445 = arith.cmpf olt, %gather3A_444, %max3A_439 : vector<16xf32>
        %gather3A_446 = tpu.vector_load_idx %arg9[%get3A_298] : memref<10000xf32, #tpu.memory_space<vmem>>[vector<16xi32>], vector<16xf32>,
        %lt3A_447 = arith.cmpf olt, %gather3A_446, %max3A_440 : vector<16xf32>
        %gather3A_448 = tpu.vector_load_idx %arg10[%get3A_298] : memref<10000xf32, #tpu.memory_space<vmem>>[vector<16xi32>], vector<16xf32>,
        %lt3A_449 = arith.cmpf olt, %gather3A_448, %max3A_441 : vector<16xf32>
        tpu.vector_store_idx %arg7[%get3A_298], %max3A_438 masked %lt3A_443 : memref<10000xf32, #tpu.memory_space<vmem>>[vector<16xi32>], vector<16xf32>, vector<16xi1>
        tpu.vector_store_idx %arg8[%get3A_298], %max3A_439 masked %lt3A_445 : memref<10000xf32, #tpu.memory_space<vmem>>[vector<16xi32>], vector<16xf32>, vector<16xi1>
        tpu.vector_store_idx %arg9[%get3A_298], %max3A_440 masked %lt3A_447 : memref<10000xf32, #tpu.memory_space<vmem>>[vector<16xi32>], vector<16xf32>, vector<16xi1>
        tpu.vector_store_idx %arg10[%get3A_298], %max3A_441 masked %lt3A_449 : memref<10000xf32, #tpu.memory_space<vmem>>[vector<16xi32>], vector<16xf32>, vector<16xi1>
        %broadcast_in_dim3A_450 = arith.constant true
        %broadcast_in_dim3A_451 = vector.broadcast %broadcast_in_dim3A_450 : i1 to vector<16xi1>
        %unique3A_452, %unique3A_453 = tpu.scan_count mask(%broadcast_in_dim3A_451 : vector<16xi1>) value(%get3A_298 : vector<16xi32>) : vector<16xi1>, vector<16xi32>
        %ge3A_454 = vector.broadcast %reduce_max3A_14 : i32 to vector<16xi32>
        %ge3A_455 = arith.cmpi sge, %unique3A_453, %ge3A_454 : vector<16xi32>
        %or3A_456 = arith.ori %or3A_381, %ge3A_455 : vector<16xi1>
        %gather3A_457 = tpu.vector_load_idx %arg11[%get3A_306] : memref<10000xf32, #tpu.memory_space<vmem>>[vector<16xi32>], vector<16xf32>,
        %gather3A_458 = tpu.vector_load_idx %arg12[%get3A_306] : memref<10000xf32, #tpu.memory_space<vmem>>[vector<16xi32>], vector<16xf32>,
        %gather3A_459 = tpu.vector_load_idx %arg13[%get3A_306] : memref<10000xf32, #tpu.memory_space<vmem>>[vector<16xi32>], vector<16xf32>,
        %gather3A_460 = tpu.vector_load_idx %arg14[%get3A_306] : memref<10000xf32, #tpu.memory_space<vmem>>[vector<16xi32>], vector<16xf32>,
        %max3A_461 = arith.maximumf %gather3A_457, %gather3A_326 : vector<16xf32>
        %max3A_462 = arith.maximumf %gather3A_458, %gather3A_330 : vector<16xf32>
        %max3A_463 = arith.maximumf %gather3A_459, %gather3A_334 : vector<16xf32>
        %max3A_464 = arith.maximumf %gather3A_460, %gather3A_338 : vector<16xf32>
        tpu.vector_store_idx %arg11[%get3A_306], %max3A_461 : memref<10000xf32, #tpu.memory_space<vmem>>[vector<16xi32>], vector<16xf32>,
        tpu.vector_store_idx %arg12[%get3A_306], %max3A_462 : memref<10000xf32, #tpu.memory_space<vmem>>[vector<16xi32>], vector<16xf32>,
        tpu.vector_store_idx %arg13[%get3A_306], %max3A_463 : memref<10000xf32, #tpu.memory_space<vmem>>[vector<16xi32>], vector<16xf32>,
        tpu.vector_store_idx %arg14[%get3A_306], %max3A_464 : memref<10000xf32, #tpu.memory_space<vmem>>[vector<16xi32>], vector<16xf32>,
        %gather3A_465 = tpu.vector_load_idx %arg11[%get3A_306] : memref<10000xf32, #tpu.memory_space<vmem>>[vector<16xi32>], vector<16xf32>,
        %lt3A_466 = arith.cmpf olt, %gather3A_465, %max3A_461 : vector<16xf32>
        %gather3A_467 = tpu.vector_load_idx %arg12[%get3A_306] : memref<10000xf32, #tpu.memory_space<vmem>>[vector<16xi32>], vector<16xf32>,
        %lt3A_468 = arith.cmpf olt, %gather3A_467, %max3A_462 : vector<16xf32>
        %gather3A_469 = tpu.vector_load_idx %arg13[%get3A_306] : memref<10000xf32, #tpu.memory_space<vmem>>[vector<16xi32>], vector<16xf32>,
        %lt3A_470 = arith.cmpf olt, %gather3A_469, %max3A_463 : vector<16xf32>
        %gather3A_471 = tpu.vector_load_idx %arg14[%get3A_306] : memref<10000xf32, #tpu.memory_space<vmem>>[vector<16xi32>], vector<16xf32>,
        %lt3A_472 = arith.cmpf olt, %gather3A_471, %max3A_464 : vector<16xf32>
        tpu.vector_store_idx %arg11[%get3A_306], %max3A_461 masked %lt3A_466 : memref<10000xf32, #tpu.memory_space<vmem>>[vector<16xi32>], vector<16xf32>, vector<16xi1>
        tpu.vector_store_idx %arg12[%get3A_306], %max3A_462 masked %lt3A_468 : memref<10000xf32, #tpu.memory_space<vmem>>[vector<16xi32>], vector<16xf32>, vector<16xi1>
        tpu.vector_store_idx %arg13[%get3A_306], %max3A_463 masked %lt3A_470 : memref<10000xf32, #tpu.memory_space<vmem>>[vector<16xi32>], vector<16xf32>, vector<16xi1>
        tpu.vector_store_idx %arg14[%get3A_306], %max3A_464 masked %lt3A_472 : memref<10000xf32, #tpu.memory_space<vmem>>[vector<16xi32>], vector<16xf32>, vector<16xi1>
        %broadcast_in_dim3A_473 = arith.constant true
        %broadcast_in_dim3A_474 = vector.broadcast %broadcast_in_dim3A_473 : i1 to vector<16xi1>
        %unique3A_475, %unique3A_476 = tpu.scan_count mask(%broadcast_in_dim3A_474 : vector<16xi1>) value(%get3A_306 : vector<16xi32>) : vector<16xi1>, vector<16xi32>
        %ge3A_477 = vector.broadcast %reduce_max3A_14 : i32 to vector<16xi32>
        %ge3A_478 = arith.cmpi sge, %unique3A_476, %ge3A_477 : vector<16xi32>
        %or3A_479 = arith.ori %or3A_456, %ge3A_478 : vector<16xi1>
        scf.yield %get3A_391, %get3A_393, %gather3A_405, %gather3A_409, %gather3A_413, %gather3A_417, %get3A_397, %get3A_401, %gather3A_421, %gather3A_425, %gather3A_429, %gather3A_433, %or3A_479 : vector<16xi32>, vector<16xi32>, vector<16xf32>, vector<16xf32>, vector<16xf32>, vector<16xf32>, vector<16xi32>, vector<16xi32>, vector<16xf32>, vector<16xf32>, vector<16xf32>, vector<16xf32>, vector<16xi1>
      }
      %scan3A_253 = arith.constant 50 : i32
      %reduce_or3A_254 = arith.constant 1.000000e+00 : f32
      %reduce_or3A_255 = arith.constant 0.000000e+00 : f32
      %reduce_or3A_256 = vector.broadcast %reduce_or3A_254 : f32 to vector<16xf32>
      %reduce_or3A_257 = vector.broadcast %reduce_or3A_255 : f32 to vector<16xf32>
      %reduce_or3A_258 = arith.select %scan3A_252#12, %reduce_or3A_256, %reduce_or3A_257 : vector<16xi1>, vector<16xf32>
      %reduce_or3A_259 = arith.constant true
      %reduce_or3A_260 = vector.broadcast %reduce_or3A_259 : i1 to vector<16xi1>
      %reduce_or3A_261 = tpu.scan <max>, %reduce_or3A_258 masked %reduce_or3A_260 : vector<16xf32>, vector<16xi1> -> vector<16xf32>
      %reduce_or3A_262 = vector.extract %reduce_or3A_261[15] : f32 from vector<16xf32>
      %reduce_or3A_263 = arith.constant 0.000000e+00 : f32
      %reduce_or3A_264 = arith.cmpf ogt, %reduce_or3A_262, %reduce_or3A_263 : f32
      %convert_element_type3A_265 = arith.extui %reduce_or3A_264 : i1 to i32
      %cond3A_266 = arith.constant 0 : i32
      %cond3A_267 = arith.cmpi ne, %convert_element_type3A_265, %cond3A_266 : i32
      scf.if %cond3A_267 {
        %scan3A_275 = arith.constant 0 : i32
        %scan3A_276 = arith.constant 0 : i32
        %scan3A_277 = arith.constant 50 : i32
        %scan3A_278 = arith.addi %scan3A_276, %scan3A_277 : i32
        %scan3A_279 = arith.constant 1 : i32
        scf.for %scan3A_287 = %scan3A_276 to %scan3A_278 step %scan3A_279  : i32 {
          %mul3A_288 = arith.constant 32 : i32
          %mul3A_289 = arith.muli %scan3A_287, %mul3A_288 : i32
          %add3A_290 = arith.constant 1632 : i32
          %add3A_291 = arith.addi %add3A_290, %mul3A_289 : i32
          %add3A_292 = arith.constant 0 : i32
          %add3A_293 = arith.addi %add3A_291, %add3A_292 : i32
          %get3A_294 = arith.index_cast %add3A_293 : i32 to index
          %get3A_295 = tpu.vector_load %arg15[%get3A_294] {strides = array<i32>} : memref<3264xi32, #tpu.memory_space<vmem>>, vector<16xi32>,
          %get3A_296 = arith.index_cast %add3A_293 : i32 to index
          %get3A_297 = tpu.vector_load %arg16[%get3A_296] {strides = array<i32>} : memref<3264xi32, #tpu.memory_space<vmem>>, vector<16xi32>,
          %add3A_298 = arith.constant 0 : i32
          %add3A_299 = vector.broadcast %add3A_298 : i32 to vector<16xi32>
          %add3A_300 = arith.addi %get3A_295, %add3A_299 : vector<16xi32>
          %gather3A_301 = tpu.vector_load_idx %arg6[%add3A_300] : memref<40000xf32, #tpu.memory_space<vmem>>[vector<16xi32>], vector<16xf32>,
          %gather3A_302 = tpu.vector_load_idx %arg7[%get3A_297] : memref<10000xf32, #tpu.memory_space<vmem>>[vector<16xi32>], vector<16xf32>,
          %max3A = arith.maximumf %gather3A_302, %gather3A_301 : vector<16xf32>
          tpu.vector_store_idx %arg7[%get3A_297], %max3A : memref<10000xf32, #tpu.memory_space<vmem>>[vector<16xi32>], vector<16xf32>,
          %gather3A_303 = tpu.vector_load_idx %arg7[%get3A_297] : memref<10000xf32, #tpu.memory_space<vmem>>[vector<16xi32>], vector<16xf32>,
          %lt3A_304 = arith.cmpf olt, %gather3A_303, %max3A : vector<16xf32>
          %add3A_305 = arith.constant 10000 : i32
          %add3A_306 = vector.broadcast %add3A_305 : i32 to vector<16xi32>
          %add3A_307 = arith.addi %get3A_295, %add3A_306 : vector<16xi32>
          %gather3A_308 = tpu.vector_load_idx %arg6[%add3A_307] : memref<40000xf32, #tpu.memory_space<vmem>>[vector<16xi32>], vector<16xf32>,
          %gather3A_309 = tpu.vector_load_idx %arg8[%get3A_297] : memref<10000xf32, #tpu.memory_space<vmem>>[vector<16xi32>], vector<16xf32>,
          %max3A_310 = arith.maximumf %gather3A_309, %gather3A_308 : vector<16xf32>
          tpu.vector_store_idx %arg8[%get3A_297], %max3A_310 : memref<10000xf32, #tpu.memory_space<vmem>>[vector<16xi32>], vector<16xf32>,
          %gather3A_311 = tpu.vector_load_idx %arg8[%get3A_297] : memref<10000xf32, #tpu.memory_space<vmem>>[vector<16xi32>], vector<16xf32>,
          %lt3A_312 = arith.cmpf olt, %gather3A_311, %max3A_310 : vector<16xf32>
          %add3A_313 = arith.constant 20000 : i32
          %add3A_314 = vector.broadcast %add3A_313 : i32 to vector<16xi32>
          %add3A_315 = arith.addi %get3A_295, %add3A_314 : vector<16xi32>
          %gather3A_316 = tpu.vector_load_idx %arg6[%add3A_315] : memref<40000xf32, #tpu.memory_space<vmem>>[vector<16xi32>], vector<16xf32>,
          %gather3A_317 = tpu.vector_load_idx %arg9[%get3A_297] : memref<10000xf32, #tpu.memory_space<vmem>>[vector<16xi32>], vector<16xf32>,
          %max3A_318 = arith.maximumf %gather3A_317, %gather3A_316 : vector<16xf32>
          tpu.vector_store_idx %arg9[%get3A_297], %max3A_318 : memref<10000xf32, #tpu.memory_space<vmem>>[vector<16xi32>], vector<16xf32>,
          %gather3A_319 = tpu.vector_load_idx %arg9[%get3A_297] : memref<10000xf32, #tpu.memory_space<vmem>>[vector<16xi32>], vector<16xf32>,
          %lt3A_320 = arith.cmpf olt, %gather3A_319, %max3A_318 : vector<16xf32>
          %add3A_321 = arith.constant 30000 : i32
          %add3A_322 = vector.broadcast %add3A_321 : i32 to vector<16xi32>
          %add3A_323 = arith.addi %get3A_295, %add3A_322 : vector<16xi32>
          %gather3A_324 = tpu.vector_load_idx %arg6[%add3A_323] : memref<40000xf32, #tpu.memory_space<vmem>>[vector<16xi32>], vector<16xf32>,
          %gather3A_325 = tpu.vector_load_idx %arg10[%get3A_297] : memref<10000xf32, #tpu.memory_space<vmem>>[vector<16xi32>], vector<16xf32>,
          %max3A_326 = arith.maximumf %gather3A_325, %gather3A_324 : vector<16xf32>
          tpu.vector_store_idx %arg10[%get3A_297], %max3A_326 : memref<10000xf32, #tpu.memory_space<vmem>>[vector<16xi32>], vector<16xf32>,
          %gather3A_327 = tpu.vector_load_idx %arg10[%get3A_297] : memref<10000xf32, #tpu.memory_space<vmem>>[vector<16xi32>], vector<16xf32>,
          %lt3A_328 = arith.cmpf olt, %gather3A_327, %max3A_326 : vector<16xf32>
          %while3A:4 = scf.while (%while3A_329 = %lt3A_304, %while3A_330 = %lt3A_312, %while3A_331 = %lt3A_320, %while3A_332 = %lt3A_328) : (vector<16xi1>, vector<16xi1>, vector<16xi1>, vector<16xi1>) -> (vector<16xi1>, vector<16xi1>, vector<16xi1>, vector<16xi1>) {
            %or3A = arith.ori %while3A_329, %while3A_330 : vector<16xi1>
            %or3A_333 = arith.ori %or3A, %while3A_331 : vector<16xi1>
            %or3A_334 = arith.ori %or3A_333, %while3A_332 : vector<16xi1>
            %reduce_or3A_335 = arith.constant 1.000000e+00 : f32
            %reduce_or3A_336 = arith.constant 0.000000e+00 : f32
            %reduce_or3A_337 = vector.broadcast %reduce_or3A_335 : f32 to vector<16xf32>
            %reduce_or3A_338 = vector.broadcast %reduce_or3A_336 : f32 to vector<16xf32>
            %reduce_or3A_339 = arith.select %or3A_334, %reduce_or3A_337, %reduce_or3A_338 : vector<16xi1>, vector<16xf32>
            %reduce_or3A_340 = arith.constant true
            %reduce_or3A_341 = vector.broadcast %reduce_or3A_340 : i1 to vector<16xi1>
            %reduce_or3A_342 = tpu.scan <max>, %reduce_or3A_339 masked %reduce_or3A_341 : vector<16xf32>, vector<16xi1> -> vector<16xf32>
            %reduce_or3A_343 = vector.extract %reduce_or3A_342[15] : f32 from vector<16xf32>
            %reduce_or3A_344 = arith.constant 0.000000e+00 : f32
            %reduce_or3A_345 = arith.cmpf ogt, %reduce_or3A_343, %reduce_or3A_344 : f32
            scf.condition(%reduce_or3A_345) %while3A_329, %while3A_330, %while3A_331, %while3A_332 : vector<16xi1>, vector<16xi1>, vector<16xi1>, vector<16xi1>
          } do {
          ^bb0(%while3A_329: vector<16xi1>, %while3A_330: vector<16xi1>, %while3A_331: vector<16xi1>, %while3A_332: vector<16xi1>):
            tpu.vector_store_idx %arg7[%get3A_297], %max3A masked %while3A_329 : memref<10000xf32, #tpu.memory_space<vmem>>[vector<16xi32>], vector<16xf32>, vector<16xi1>
            %gather3A_333 = tpu.vector_load_idx %arg7[%get3A_297] : memref<10000xf32, #tpu.memory_space<vmem>>[vector<16xi32>], vector<16xf32>,
            %lt3A_334 = arith.cmpf olt, %gather3A_333, %max3A : vector<16xf32>
            %and3A = arith.andi %while3A_329, %lt3A_334 : vector<16xi1>
            tpu.vector_store_idx %arg8[%get3A_297], %max3A_310 masked %while3A_330 : memref<10000xf32, #tpu.memory_space<vmem>>[vector<16xi32>], vector<16xf32>, vector<16xi1>
            %gather3A_335 = tpu.vector_load_idx %arg8[%get3A_297] : memref<10000xf32, #tpu.memory_space<vmem>>[vector<16xi32>], vector<16xf32>,
            %lt3A_336 = arith.cmpf olt, %gather3A_335, %max3A_310 : vector<16xf32>
            %and3A_337 = arith.andi %while3A_330, %lt3A_336 : vector<16xi1>
            tpu.vector_store_idx %arg9[%get3A_297], %max3A_318 masked %while3A_331 : memref<10000xf32, #tpu.memory_space<vmem>>[vector<16xi32>], vector<16xf32>, vector<16xi1>
            %gather3A_338 = tpu.vector_load_idx %arg9[%get3A_297] : memref<10000xf32, #tpu.memory_space<vmem>>[vector<16xi32>], vector<16xf32>,
            %lt3A_339 = arith.cmpf olt, %gather3A_338, %max3A_318 : vector<16xf32>
            %and3A_340 = arith.andi %while3A_331, %lt3A_339 : vector<16xi1>
            tpu.vector_store_idx %arg10[%get3A_297], %max3A_326 masked %while3A_332 : memref<10000xf32, #tpu.memory_space<vmem>>[vector<16xi32>], vector<16xf32>, vector<16xi1>
            %gather3A_341 = tpu.vector_load_idx %arg10[%get3A_297] : memref<10000xf32, #tpu.memory_space<vmem>>[vector<16xi32>], vector<16xf32>,
            %lt3A_342 = arith.cmpf olt, %gather3A_341, %max3A_326 : vector<16xf32>
            %and3A_343 = arith.andi %while3A_332, %lt3A_342 : vector<16xi1>
            scf.yield %and3A, %and3A_337, %and3A_340, %and3A_343 : vector<16xi1>, vector<16xi1>, vector<16xi1>, vector<16xi1>
          }
        }
        %scan3A_280 = arith.constant 50 : i32
        %scan3A_281 = arith.constant 0 : i32
        %scan3A_282 = arith.constant 0 : i32
        %scan3A_283 = arith.constant 50 : i32
        %scan3A_284 = arith.addi %scan3A_282, %scan3A_283 : i32
        %scan3A_285 = arith.constant 1 : i32
        scf.for %scan3A_287 = %scan3A_282 to %scan3A_284 step %scan3A_285  : i32 {
          %mul3A_288 = arith.constant 32 : i32
          %mul3A_289 = arith.muli %scan3A_287, %mul3A_288 : i32
          %add3A_290 = arith.constant 1632 : i32
          %add3A_291 = arith.addi %add3A_290, %mul3A_289 : i32
          %add3A_292 = arith.constant 16 : i32
          %add3A_293 = arith.addi %add3A_291, %add3A_292 : i32
          %get3A_294 = arith.index_cast %add3A_293 : i32 to index
          %get3A_295 = tpu.vector_load %arg15[%get3A_294] {strides = array<i32>} : memref<3264xi32, #tpu.memory_space<vmem>>, vector<16xi32>,
          %get3A_296 = arith.index_cast %add3A_293 : i32 to index
          %get3A_297 = tpu.vector_load %arg16[%get3A_296] {strides = array<i32>} : memref<3264xi32, #tpu.memory_space<vmem>>, vector<16xi32>,
          %add3A_298 = arith.constant 0 : i32
          %add3A_299 = vector.broadcast %add3A_298 : i32 to vector<16xi32>
          %add3A_300 = arith.addi %get3A_295, %add3A_299 : vector<16xi32>
          %gather3A_301 = tpu.vector_load_idx %arg6[%add3A_300] : memref<40000xf32, #tpu.memory_space<vmem>>[vector<16xi32>], vector<16xf32>,
          %gather3A_302 = tpu.vector_load_idx %arg11[%get3A_297] : memref<10000xf32, #tpu.memory_space<vmem>>[vector<16xi32>], vector<16xf32>,
          %max3A = arith.maximumf %gather3A_302, %gather3A_301 : vector<16xf32>
          tpu.vector_store_idx %arg11[%get3A_297], %max3A : memref<10000xf32, #tpu.memory_space<vmem>>[vector<16xi32>], vector<16xf32>,
          %gather3A_303 = tpu.vector_load_idx %arg11[%get3A_297] : memref<10000xf32, #tpu.memory_space<vmem>>[vector<16xi32>], vector<16xf32>,
          %lt3A_304 = arith.cmpf olt, %gather3A_303, %max3A : vector<16xf32>
          %add3A_305 = arith.constant 10000 : i32
          %add3A_306 = vector.broadcast %add3A_305 : i32 to vector<16xi32>
          %add3A_307 = arith.addi %get3A_295, %add3A_306 : vector<16xi32>
          %gather3A_308 = tpu.vector_load_idx %arg6[%add3A_307] : memref<40000xf32, #tpu.memory_space<vmem>>[vector<16xi32>], vector<16xf32>,
          %gather3A_309 = tpu.vector_load_idx %arg12[%get3A_297] : memref<10000xf32, #tpu.memory_space<vmem>>[vector<16xi32>], vector<16xf32>,
          %max3A_310 = arith.maximumf %gather3A_309, %gather3A_308 : vector<16xf32>
          tpu.vector_store_idx %arg12[%get3A_297], %max3A_310 : memref<10000xf32, #tpu.memory_space<vmem>>[vector<16xi32>], vector<16xf32>,
          %gather3A_311 = tpu.vector_load_idx %arg12[%get3A_297] : memref<10000xf32, #tpu.memory_space<vmem>>[vector<16xi32>], vector<16xf32>,
          %lt3A_312 = arith.cmpf olt, %gather3A_311, %max3A_310 : vector<16xf32>
          %add3A_313 = arith.constant 20000 : i32
          %add3A_314 = vector.broadcast %add3A_313 : i32 to vector<16xi32>
          %add3A_315 = arith.addi %get3A_295, %add3A_314 : vector<16xi32>
          %gather3A_316 = tpu.vector_load_idx %arg6[%add3A_315] : memref<40000xf32, #tpu.memory_space<vmem>>[vector<16xi32>], vector<16xf32>,
          %gather3A_317 = tpu.vector_load_idx %arg13[%get3A_297] : memref<10000xf32, #tpu.memory_space<vmem>>[vector<16xi32>], vector<16xf32>,
          %max3A_318 = arith.maximumf %gather3A_317, %gather3A_316 : vector<16xf32>
          tpu.vector_store_idx %arg13[%get3A_297], %max3A_318 : memref<10000xf32, #tpu.memory_space<vmem>>[vector<16xi32>], vector<16xf32>,
          %gather3A_319 = tpu.vector_load_idx %arg13[%get3A_297] : memref<10000xf32, #tpu.memory_space<vmem>>[vector<16xi32>], vector<16xf32>,
          %lt3A_320 = arith.cmpf olt, %gather3A_319, %max3A_318 : vector<16xf32>
          %add3A_321 = arith.constant 30000 : i32
          %add3A_322 = vector.broadcast %add3A_321 : i32 to vector<16xi32>
          %add3A_323 = arith.addi %get3A_295, %add3A_322 : vector<16xi32>
          %gather3A_324 = tpu.vector_load_idx %arg6[%add3A_323] : memref<40000xf32, #tpu.memory_space<vmem>>[vector<16xi32>], vector<16xf32>,
          %gather3A_325 = tpu.vector_load_idx %arg14[%get3A_297] : memref<10000xf32, #tpu.memory_space<vmem>>[vector<16xi32>], vector<16xf32>,
          %max3A_326 = arith.maximumf %gather3A_325, %gather3A_324 : vector<16xf32>
          tpu.vector_store_idx %arg14[%get3A_297], %max3A_326 : memref<10000xf32, #tpu.memory_space<vmem>>[vector<16xi32>], vector<16xf32>,
          %gather3A_327 = tpu.vector_load_idx %arg14[%get3A_297] : memref<10000xf32, #tpu.memory_space<vmem>>[vector<16xi32>], vector<16xf32>,
          %lt3A_328 = arith.cmpf olt, %gather3A_327, %max3A_326 : vector<16xf32>
          %while3A:4 = scf.while (%while3A_329 = %lt3A_304, %while3A_330 = %lt3A_312, %while3A_331 = %lt3A_320, %while3A_332 = %lt3A_328) : (vector<16xi1>, vector<16xi1>, vector<16xi1>, vector<16xi1>) -> (vector<16xi1>, vector<16xi1>, vector<16xi1>, vector<16xi1>) {
            %or3A = arith.ori %while3A_329, %while3A_330 : vector<16xi1>
            %or3A_333 = arith.ori %or3A, %while3A_331 : vector<16xi1>
            %or3A_334 = arith.ori %or3A_333, %while3A_332 : vector<16xi1>
            %reduce_or3A_335 = arith.constant 1.000000e+00 : f32
            %reduce_or3A_336 = arith.constant 0.000000e+00 : f32
            %reduce_or3A_337 = vector.broadcast %reduce_or3A_335 : f32 to vector<16xf32>
            %reduce_or3A_338 = vector.broadcast %reduce_or3A_336 : f32 to vector<16xf32>
            %reduce_or3A_339 = arith.select %or3A_334, %reduce_or3A_337, %reduce_or3A_338 : vector<16xi1>, vector<16xf32>
            %reduce_or3A_340 = arith.constant true
            %reduce_or3A_341 = vector.broadcast %reduce_or3A_340 : i1 to vector<16xi1>
            %reduce_or3A_342 = tpu.scan <max>, %reduce_or3A_339 masked %reduce_or3A_341 : vector<16xf32>, vector<16xi1> -> vector<16xf32>
            %reduce_or3A_343 = vector.extract %reduce_or3A_342[15] : f32 from vector<16xf32>
            %reduce_or3A_344 = arith.constant 0.000000e+00 : f32
            %reduce_or3A_345 = arith.cmpf ogt, %reduce_or3A_343, %reduce_or3A_344 : f32
            scf.condition(%reduce_or3A_345) %while3A_329, %while3A_330, %while3A_331, %while3A_332 : vector<16xi1>, vector<16xi1>, vector<16xi1>, vector<16xi1>
          } do {
          ^bb0(%while3A_329: vector<16xi1>, %while3A_330: vector<16xi1>, %while3A_331: vector<16xi1>, %while3A_332: vector<16xi1>):
            tpu.vector_store_idx %arg11[%get3A_297], %max3A masked %while3A_329 : memref<10000xf32, #tpu.memory_space<vmem>>[vector<16xi32>], vector<16xf32>, vector<16xi1>
            %gather3A_333 = tpu.vector_load_idx %arg11[%get3A_297] : memref<10000xf32, #tpu.memory_space<vmem>>[vector<16xi32>], vector<16xf32>,
            %lt3A_334 = arith.cmpf olt, %gather3A_333, %max3A : vector<16xf32>
            %and3A = arith.andi %while3A_329, %lt3A_334 : vector<16xi1>
            tpu.vector_store_idx %arg12[%get3A_297], %max3A_310 masked %while3A_330 : memref<10000xf32, #tpu.memory_space<vmem>>[vector<16xi32>], vector<16xf32>, vector<16xi1>
            %gather3A_335 = tpu.vector_load_idx %arg12[%get3A_297] : memref<10000xf32, #tpu.memory_space<vmem>>[vector<16xi32>], vector<16xf32>,
            %lt3A_336 = arith.cmpf olt, %gather3A_335, %max3A_310 : vector<16xf32>
            %and3A_337 = arith.andi %while3A_330, %lt3A_336 : vector<16xi1>
            tpu.vector_store_idx %arg13[%get3A_297], %max3A_318 masked %while3A_331 : memref<10000xf32, #tpu.memory_space<vmem>>[vector<16xi32>], vector<16xf32>, vector<16xi1>
            %gather3A_338 = tpu.vector_load_idx %arg13[%get3A_297] : memref<10000xf32, #tpu.memory_space<vmem>>[vector<16xi32>], vector<16xf32>,
            %lt3A_339 = arith.cmpf olt, %gather3A_338, %max3A_318 : vector<16xf32>
            %and3A_340 = arith.andi %while3A_331, %lt3A_339 : vector<16xi1>
            tpu.vector_store_idx %arg14[%get3A_297], %max3A_326 masked %while3A_332 : memref<10000xf32, #tpu.memory_space<vmem>>[vector<16xi32>], vector<16xf32>, vector<16xi1>
            %gather3A_341 = tpu.vector_load_idx %arg14[%get3A_297] : memref<10000xf32, #tpu.memory_space<vmem>>[vector<16xi32>], vector<16xf32>,
            %lt3A_342 = arith.cmpf olt, %gather3A_341, %max3A_326 : vector<16xf32>
            %and3A_343 = arith.andi %while3A_332, %lt3A_342 : vector<16xi1>
            scf.yield %and3A, %and3A_337, %and3A_340, %and3A_343 : vector<16xi1>, vector<16xi1>, vector<16xi1>, vector<16xi1>
          }
        }
        %scan3A_286 = arith.constant 50 : i32
      } else {
      }
      %add3A_268 = arith.constant 2 : i32
      %add3A_269 = arith.addi %add3A_189, %add3A_268 : i32
      %lt3A_270 = arith.constant 200 : i32
      %lt3A_271 = arith.cmpi slt, %add3A_269, %lt3A_270 : i32
      %convert_element_type3A_272 = arith.extui %lt3A_271 : i1 to i32
      %cond3A_273 = arith.constant 0 : i32
      %cond3A_274 = arith.cmpi ne, %convert_element_type3A_272, %cond3A_273 : i32
      scf.if %cond3A_274 {
        %add3A_275 = arith.constant 2 : i32
        %add3A_276 = arith.addi %add3A_189, %add3A_275 : i32
        %mul3A_277 = arith.constant 1600 : i32
        %mul3A_278 = arith.muli %add3A_276, %mul3A_277 : i32
        %dma_start3A_279 = arith.constant 1632 : i32
        %dma_start3A_280 = tpu.memref_slice %arg15[%dma_start3A_279] : memref<3264xi32, #tpu.memory_space<vmem>> -> memref<1600xi32, #tpu.memory_space<vmem>>
        %dma_start3A_281 = tpu.memref_slice %arg3[%mul3A_278] : memref<320000xi32, #tpu.memory_space<hbm>> -> memref<1600xi32, #tpu.memory_space<hbm>>
        %dma_start3A_282 = arith.constant 1632 : i32
        %dma_start3A_283 = tpu.memref_slice %arg15[%dma_start3A_282] : memref<3264xi32, #tpu.memory_space<vmem>> -> memref<1600xi32, #tpu.memory_space<vmem>>
        %dma_start3A_284 = tpu.memref_slice %arg3[%mul3A_278] : memref<320000xi32, #tpu.memory_space<hbm>> -> memref<1600xi32, #tpu.memory_space<hbm>>
        tpu.enqueue_dma source(%dma_start3A_284 : memref<1600xi32, #tpu.memory_space<hbm>>) target(%dma_start3A_283 : memref<1600xi32, #tpu.memory_space<vmem>>) target_semaphore(%arg18 : memref<!tpu.dma_semaphore, #tpu.memory_space<semaphore_mem>>)
        %mul3A_285 = arith.constant 1600 : i32
        %mul3A_286 = arith.muli %add3A_276, %mul3A_285 : i32
        %dma_start3A_287 = arith.constant 1632 : i32
        %dma_start3A_288 = tpu.memref_slice %arg16[%dma_start3A_287] : memref<3264xi32, #tpu.memory_space<vmem>> -> memref<1600xi32, #tpu.memory_space<vmem>>
        %dma_start3A_289 = tpu.memref_slice %arg4[%mul3A_286] : memref<320000xi32, #tpu.memory_space<hbm>> -> memref<1600xi32, #tpu.memory_space<hbm>>
        %dma_start3A_290 = arith.constant 1632 : i32
        %dma_start3A_291 = tpu.memref_slice %arg16[%dma_start3A_290] : memref<3264xi32, #tpu.memory_space<vmem>> -> memref<1600xi32, #tpu.memory_space<vmem>>
        %dma_start3A_292 = tpu.memref_slice %arg4[%mul3A_286] : memref<320000xi32, #tpu.memory_space<hbm>> -> memref<1600xi32, #tpu.memory_space<hbm>>
        tpu.enqueue_dma source(%dma_start3A_292 : memref<1600xi32, #tpu.memory_space<hbm>>) target(%dma_start3A_291 : memref<1600xi32, #tpu.memory_space<vmem>>) target_semaphore(%arg20 : memref<!tpu.dma_semaphore, #tpu.memory_space<semaphore_mem>>)
      } else {
      }
    }
    %scan3A_87 = arith.constant 100 : i32
    %scan3A_88 = arith.constant 0 : i32
    %scan3A_89 = arith.constant 0 : i32
    %scan3A_90 = arith.constant 625 : i32
    %scan3A_91 = arith.addi %scan3A_89, %scan3A_90 : i32
    %scan3A_92 = arith.constant 1 : i32
    scf.for %scan3A_102 = %scan3A_89 to %scan3A_91 step %scan3A_92  : i32 {
      %mul3A_103 = arith.constant 16 : i32
      %mul3A_104 = arith.muli %scan3A_102, %mul3A_103 : i32
      %get3A = arith.index_cast %mul3A_104 : i32 to index
      %get3A_105 = tpu.vector_load %arg7[%get3A] {strides = array<i32>} : memref<10000xf32, #tpu.memory_space<vmem>>, vector<16xf32>,
      %mul3A_106 = arith.constant 16 : i32
      %mul3A_107 = arith.muli %scan3A_102, %mul3A_106 : i32
      %get3A_108 = arith.index_cast %mul3A_107 : i32 to index
      %get3A_109 = tpu.vector_load %arg11[%get3A_108] {strides = array<i32>} : memref<10000xf32, #tpu.memory_space<vmem>>, vector<16xf32>,
      %max3A = arith.maximumf %get3A_105, %get3A_109 : vector<16xf32>
      %mul3A_110 = arith.constant 16 : i32
      %mul3A_111 = arith.muli %scan3A_102, %mul3A_110 : i32
      %swap3A_112 = arith.index_cast %mul3A_111 : i32 to index
      %swap3A_113 = tpu.vector_load %arg7[%swap3A_112] {strides = array<i32>} : memref<10000xf32, #tpu.memory_space<vmem>>, vector<16xf32>,
      tpu.vector_store %arg7[%swap3A_112], %max3A {strides = array<i32>} : memref<10000xf32, #tpu.memory_space<vmem>>, vector<16xf32>,
      %mul3A_114 = arith.constant 16 : i32
      %mul3A_115 = arith.muli %scan3A_102, %mul3A_114 : i32
      %get3A_116 = arith.index_cast %mul3A_115 : i32 to index
      %get3A_117 = tpu.vector_load %arg8[%get3A_116] {strides = array<i32>} : memref<10000xf32, #tpu.memory_space<vmem>>, vector<16xf32>,
      %mul3A_118 = arith.constant 16 : i32
      %mul3A_119 = arith.muli %scan3A_102, %mul3A_118 : i32
      %get3A_120 = arith.index_cast %mul3A_119 : i32 to index
      %get3A_121 = tpu.vector_load %arg12[%get3A_120] {strides = array<i32>} : memref<10000xf32, #tpu.memory_space<vmem>>, vector<16xf32>,
      %max3A_122 = arith.maximumf %get3A_117, %get3A_121 : vector<16xf32>
      %mul3A_123 = arith.constant 16 : i32
      %mul3A_124 = arith.muli %scan3A_102, %mul3A_123 : i32
      %swap3A_125 = arith.index_cast %mul3A_124 : i32 to index
      %swap3A_126 = tpu.vector_load %arg8[%swap3A_125] {strides = array<i32>} : memref<10000xf32, #tpu.memory_space<vmem>>, vector<16xf32>,
      tpu.vector_store %arg8[%swap3A_125], %max3A_122 {strides = array<i32>} : memref<10000xf32, #tpu.memory_space<vmem>>, vector<16xf32>,
      %mul3A_127 = arith.constant 16 : i32
      %mul3A_128 = arith.muli %scan3A_102, %mul3A_127 : i32
      %get3A_129 = arith.index_cast %mul3A_128 : i32 to index
      %get3A_130 = tpu.vector_load %arg9[%get3A_129] {strides = array<i32>} : memref<10000xf32, #tpu.memory_space<vmem>>, vector<16xf32>,
      %mul3A_131 = arith.constant 16 : i32
      %mul3A_132 = arith.muli %scan3A_102, %mul3A_131 : i32
      %get3A_133 = arith.index_cast %mul3A_132 : i32 to index
      %get3A_134 = tpu.vector_load %arg13[%get3A_133] {strides = array<i32>} : memref<10000xf32, #tpu.memory_space<vmem>>, vector<16xf32>,
      %max3A_135 = arith.maximumf %get3A_130, %get3A_134 : vector<16xf32>
      %mul3A_136 = arith.constant 16 : i32
      %mul3A_137 = arith.muli %scan3A_102, %mul3A_136 : i32
      %swap3A_138 = arith.index_cast %mul3A_137 : i32 to index
      %swap3A_139 = tpu.vector_load %arg9[%swap3A_138] {strides = array<i32>} : memref<10000xf32, #tpu.memory_space<vmem>>, vector<16xf32>,
      tpu.vector_store %arg9[%swap3A_138], %max3A_135 {strides = array<i32>} : memref<10000xf32, #tpu.memory_space<vmem>>, vector<16xf32>,
      %mul3A_140 = arith.constant 16 : i32
      %mul3A_141 = arith.muli %scan3A_102, %mul3A_140 : i32
      %get3A_142 = arith.index_cast %mul3A_141 : i32 to index
      %get3A_143 = tpu.vector_load %arg10[%get3A_142] {strides = array<i32>} : memref<10000xf32, #tpu.memory_space<vmem>>, vector<16xf32>,
      %mul3A_144 = arith.constant 16 : i32
      %mul3A_145 = arith.muli %scan3A_102, %mul3A_144 : i32
      %get3A_146 = arith.index_cast %mul3A_145 : i32 to index
      %get3A_147 = tpu.vector_load %arg14[%get3A_146] {strides = array<i32>} : memref<10000xf32, #tpu.memory_space<vmem>>, vector<16xf32>,
      %max3A_148 = arith.maximumf %get3A_143, %get3A_147 : vector<16xf32>
      %mul3A_149 = arith.constant 16 : i32
      %mul3A_150 = arith.muli %scan3A_102, %mul3A_149 : i32
      %swap3A_151 = arith.index_cast %mul3A_150 : i32 to index
      %swap3A_152 = tpu.vector_load %arg10[%swap3A_151] {strides = array<i32>} : memref<10000xf32, #tpu.memory_space<vmem>>, vector<16xf32>,
      tpu.vector_store %arg10[%swap3A_151], %max3A_148 {strides = array<i32>} : memref<10000xf32, #tpu.memory_space<vmem>>, vector<16xf32>,
    }
    %scan3A_93 = arith.constant 625 : i32
    %add3A_94 = arith.constant 0 : i32
    %add3A_95 = arith.addi %mul3A_2, %add3A_94 : i32
    "tpu.region"() ({
      %run_scoped3A = tpu.sem_alloc : memref<!tpu.dma_semaphore, #tpu.memory_space<semaphore_mem>>
      %dma_start3A_102 = tpu.memref_slice %arg5[%add3A_95] : memref<1280000xf32, #tpu.memory_space<hbm>> -> memref<10000xf32, #tpu.memory_space<hbm>>
      %dma_start3A_103 = tpu.memref_slice %arg5[%add3A_95] : memref<1280000xf32, #tpu.memory_space<hbm>> -> memref<10000xf32, #tpu.memory_space<hbm>>
      tpu.enqueue_dma source(%arg7 : memref<10000xf32, #tpu.memory_space<vmem>>) target(%dma_start3A_103 : memref<10000xf32, #tpu.memory_space<hbm>>) target_semaphore(%run_scoped3A : memref<!tpu.dma_semaphore, #tpu.memory_space<semaphore_mem>>)
      %dma_wait3A = tpu.memref_slice %arg5[%add3A_95] : memref<1280000xf32, #tpu.memory_space<hbm>> -> memref<10000xf32, #tpu.memory_space<hbm>>
      %dma_wait3A_104 = tpu.memref_slice %arg5[%add3A_95] : memref<1280000xf32, #tpu.memory_space<hbm>> -> memref<10000xf32, #tpu.memory_space<hbm>>
      tpu.wait_dma2 semaphore(%run_scoped3A : memref<!tpu.dma_semaphore, #tpu.memory_space<semaphore_mem>>) src(%arg7 : memref<10000xf32, #tpu.memory_space<vmem>>) dst(%dma_wait3A_104 : memref<10000xf32, #tpu.memory_space<hbm>>)
      tpu.yield
    }) : () -> ()
    %add3A_96 = arith.constant 10000 : i32
    %add3A_97 = arith.addi %mul3A_2, %add3A_96 : i32
    "tpu.region"() ({
      %run_scoped3A = tpu.sem_alloc : memref<!tpu.dma_semaphore, #tpu.memory_space<semaphore_mem>>
      %dma_start3A_102 = tpu.memref_slice %arg5[%add3A_97] : memref<1280000xf32, #tpu.memory_space<hbm>> -> memref<10000xf32, #tpu.memory_space<hbm>>
      %dma_start3A_103 = tpu.memref_slice %arg5[%add3A_97] : memref<1280000xf32, #tpu.memory_space<hbm>> -> memref<10000xf32, #tpu.memory_space<hbm>>
      tpu.enqueue_dma source(%arg8 : memref<10000xf32, #tpu.memory_space<vmem>>) target(%dma_start3A_103 : memref<10000xf32, #tpu.memory_space<hbm>>) target_semaphore(%run_scoped3A : memref<!tpu.dma_semaphore, #tpu.memory_space<semaphore_mem>>)
      %dma_wait3A = tpu.memref_slice %arg5[%add3A_97] : memref<1280000xf32, #tpu.memory_space<hbm>> -> memref<10000xf32, #tpu.memory_space<hbm>>
      %dma_wait3A_104 = tpu.memref_slice %arg5[%add3A_97] : memref<1280000xf32, #tpu.memory_space<hbm>> -> memref<10000xf32, #tpu.memory_space<hbm>>
      tpu.wait_dma2 semaphore(%run_scoped3A : memref<!tpu.dma_semaphore, #tpu.memory_space<semaphore_mem>>) src(%arg8 : memref<10000xf32, #tpu.memory_space<vmem>>) dst(%dma_wait3A_104 : memref<10000xf32, #tpu.memory_space<hbm>>)
      tpu.yield
    }) : () -> ()
    %add3A_98 = arith.constant 20000 : i32
    %add3A_99 = arith.addi %mul3A_2, %add3A_98 : i32
    "tpu.region"() ({
      %run_scoped3A = tpu.sem_alloc : memref<!tpu.dma_semaphore, #tpu.memory_space<semaphore_mem>>
      %dma_start3A_102 = tpu.memref_slice %arg5[%add3A_99] : memref<1280000xf32, #tpu.memory_space<hbm>> -> memref<10000xf32, #tpu.memory_space<hbm>>
      %dma_start3A_103 = tpu.memref_slice %arg5[%add3A_99] : memref<1280000xf32, #tpu.memory_space<hbm>> -> memref<10000xf32, #tpu.memory_space<hbm>>
      tpu.enqueue_dma source(%arg9 : memref<10000xf32, #tpu.memory_space<vmem>>) target(%dma_start3A_103 : memref<10000xf32, #tpu.memory_space<hbm>>) target_semaphore(%run_scoped3A : memref<!tpu.dma_semaphore, #tpu.memory_space<semaphore_mem>>)
      %dma_wait3A = tpu.memref_slice %arg5[%add3A_99] : memref<1280000xf32, #tpu.memory_space<hbm>> -> memref<10000xf32, #tpu.memory_space<hbm>>
      %dma_wait3A_104 = tpu.memref_slice %arg5[%add3A_99] : memref<1280000xf32, #tpu.memory_space<hbm>> -> memref<10000xf32, #tpu.memory_space<hbm>>
      tpu.wait_dma2 semaphore(%run_scoped3A : memref<!tpu.dma_semaphore, #tpu.memory_space<semaphore_mem>>) src(%arg9 : memref<10000xf32, #tpu.memory_space<vmem>>) dst(%dma_wait3A_104 : memref<10000xf32, #tpu.memory_space<hbm>>)
      tpu.yield
    }) : () -> ()
    %add3A_100 = arith.constant 30000 : i32
    %add3A_101 = arith.addi %mul3A_2, %add3A_100 : i32
    "tpu.region"() ({
      %run_scoped3A = tpu.sem_alloc : memref<!tpu.dma_semaphore, #tpu.memory_space<semaphore_mem>>
      %dma_start3A_102 = tpu.memref_slice %arg5[%add3A_101] : memref<1280000xf32, #tpu.memory_space<hbm>> -> memref<10000xf32, #tpu.memory_space<hbm>>
      %dma_start3A_103 = tpu.memref_slice %arg5[%add3A_101] : memref<1280000xf32, #tpu.memory_space<hbm>> -> memref<10000xf32, #tpu.memory_space<hbm>>
      tpu.enqueue_dma source(%arg10 : memref<10000xf32, #tpu.memory_space<vmem>>) target(%dma_start3A_103 : memref<10000xf32, #tpu.memory_space<hbm>>) target_semaphore(%run_scoped3A : memref<!tpu.dma_semaphore, #tpu.memory_space<semaphore_mem>>)
      %dma_wait3A = tpu.memref_slice %arg5[%add3A_101] : memref<1280000xf32, #tpu.memory_space<hbm>> -> memref<10000xf32, #tpu.memory_space<hbm>>
      %dma_wait3A_104 = tpu.memref_slice %arg5[%add3A_101] : memref<1280000xf32, #tpu.memory_space<hbm>> -> memref<10000xf32, #tpu.memory_space<hbm>>
      tpu.wait_dma2 semaphore(%run_scoped3A : memref<!tpu.dma_semaphore, #tpu.memory_space<semaphore_mem>>) src(%arg10 : memref<10000xf32, #tpu.memory_space<vmem>>) dst(%dma_wait3A_104 : memref<10000xf32, #tpu.memory_space<hbm>>)
      tpu.yield
    }) : () -> ()
    return
  }
}

module attributes {stable_mosaic.version = 14 : i64} {
  func.func @_mm1_body(%arg0: memref<128x128xf32, #tpu.memory_space<vmem>>, %arg1: memref<10000x128xf32, #tpu.memory_space<vmem>>, %arg2: memref<128x1xf32, #tpu.memory_space<vmem>>, %arg3: memref<128x10000xf32, #tpu.memory_space<vmem>>) attributes {dimension_semantics = [], scalar_prefetch = 0 : i64, scratch_operands = 0 : i64, tpu.core_type = #tpu.core_type<tc>} {
    %get3A = arith.constant 0 : index
    %get3A_0 = arith.constant 0 : index
    %get3A_1 = vector.load %arg0[%get3A, %get3A_0] : memref<128x128xf32, #tpu.memory_space<vmem>>, vector<128x128xf32>
    %get3A_2 = arith.constant 0 : index
    %get3A_3 = arith.constant 0 : index
    %get3A_4 = vector.load %arg1[%get3A_2, %get3A_3] : memref<10000x128xf32, #tpu.memory_space<vmem>>, vector<10000x128xf32>
    %dot_general3A = arith.constant dense<0.000000e+00> : vector<128x10000xf32>
    %dot_general3A_5 = tpu.matmul %get3A_1, %get3A_4, %dot_general3A {dimension_numbers = #tpu.dot_dimension_numbers<[1], [1], [0], [0], [0, 0, 1, 0], [], []>, transpose_lhs_hint = false} : vector<128x128xf32>, vector<10000x128xf32>, vector<128x10000xf32> -> vector<128x10000xf32>
    %get3A_6 = arith.constant 0 : index
    %get3A_7 = arith.constant 0 : index
    %get3A_8 = vector.load %arg2[%get3A_6, %get3A_7] : memref<128x1xf32, #tpu.memory_space<vmem>>, vector<128x1xf32>
    %add3A = vector.broadcast %get3A_8 : vector<128x1xf32> to vector<128x10000xf32>
    %add3A_9 = arith.addf %dot_general3A_5, %add3A : vector<128x10000xf32>
    %max3A = arith.constant 0.000000e+00 : f32
    %max3A_10 = vector.broadcast %max3A : f32 to vector<128x10000xf32>
    %max3A_11 = arith.maximumf %add3A_9, %max3A_10 : vector<128x10000xf32>
    %swap3A = arith.constant 0 : index
    %swap3A_12 = arith.constant 0 : index
    %swap3A_13 = vector.load %arg3[%swap3A, %swap3A_12] : memref<128x10000xf32, #tpu.memory_space<vmem>>, vector<128x10000xf32>
    tpu.vector_store %arg3[%swap3A, %swap3A_12], %max3A_11 {strides = array<i32>} : memref<128x10000xf32, #tpu.memory_space<vmem>>, vector<128x10000xf32>,
    return
  }
}

module attributes {stable_mosaic.version = 14 : i64} {
  func.func @_mm2_body(%arg0: memref<128x10000xf32, #tpu.memory_space<vmem>>, %arg1: memref<128x128xf32, #tpu.memory_space<vmem>>, %arg2: memref<1x128xf32, #tpu.memory_space<vmem>>, %arg3: memref<10000x128xf32, #tpu.memory_space<vmem>>) attributes {dimension_semantics = [], scalar_prefetch = 0 : i64, scratch_operands = 0 : i64, tpu.core_type = #tpu.core_type<tc>} {
    %get3A = arith.constant 0 : index
    %get3A_0 = arith.constant 0 : index
    %get3A_1 = vector.load %arg0[%get3A, %get3A_0] : memref<128x10000xf32, #tpu.memory_space<vmem>>, vector<128x10000xf32>
    %get3A_2 = arith.constant 0 : index
    %get3A_3 = arith.constant 0 : index
    %get3A_4 = vector.load %arg1[%get3A_2, %get3A_3] : memref<128x128xf32, #tpu.memory_space<vmem>>, vector<128x128xf32>
    %dot_general3A = arith.constant dense<0.000000e+00> : vector<10000x128xf32>
    %dot_general3A_5 = tpu.matmul %get3A_1, %get3A_4, %dot_general3A {dimension_numbers = #tpu.dot_dimension_numbers<[0], [1], [1], [0], [0, 1, 1, 0], [], []>, transpose_lhs_hint = false} : vector<128x10000xf32>, vector<128x128xf32>, vector<10000x128xf32> -> vector<10000x128xf32>
    %get3A_6 = arith.constant 0 : index
    %get3A_7 = arith.constant 0 : index
    %get3A_8 = vector.load %arg2[%get3A_6, %get3A_7] : memref<1x128xf32, #tpu.memory_space<vmem>>, vector<1x128xf32>
    %add3A = vector.broadcast %get3A_8 : vector<1x128xf32> to vector<10000x128xf32>
    %add3A_9 = arith.addf %dot_general3A_5, %add3A : vector<10000x128xf32>
    %swap3A = arith.constant 0 : index
    %swap3A_10 = arith.constant 0 : index
    %swap3A_11 = vector.load %arg3[%swap3A, %swap3A_10] : memref<10000x128xf32, #tpu.memory_space<vmem>>, vector<10000x128xf32>
    tpu.vector_store %arg3[%swap3A, %swap3A_10], %add3A_9 {strides = array<i32>} : memref<10000x128xf32, #tpu.memory_space<vmem>>, vector<10000x128xf32>,
    return
  }
}

</mosaic_0001>

<sc_bundles>
// kernel: kernel.5.cloned.1.call-start
scs
__scs_entry_jumppad:
0x0: {  	(pc) =	sbr.rel $0x88, $3  }
0x1: {  	(tag) =	ssettag $0x0;
	lr =	simm.s32 $0x1  }
0x2: {  	[smem:$0x3F9A] =	sst lr;
	_ =	strace $0xD0000000  }
0x3: {  	_ = 	snop  }
0x4: {  	_ = 	snop  }
0x5: {  	_ = 	snop  }
0x6: {  	_ = 	snop  }
0x7: {  	_ = 	snop  }
__scs_overlays_trampoline_lowered:
0x8: {  	[smem:$0x3FA9] =	sst s0  }
0x9: {  	[smem:$0x3FAA] =	sst s1  }
0xa: {  	[smem:$0x3FAB] =	sst s2  }
0xb: {  	[smem:$0x3FAC] =	sst s3  }
0xc: {  	[smem:$0x3FAD] =	sst s4  }
0xd: {  	[smem:$0x3FAE] =	sst s5  }
0xe: {  	[smem:$0x3FAF] =	sst s6  }
0xf: {  	[smem:$0x3FB0] =	sst s7  }
0x10: {  	[smem:$0x3FB1] =	sst s8  }
0x11: {  	[smem:$0x3FB2] =	sst s9;
	s0 =	simm.s32 @!p0 $0x0  }
0x12: {  	s1 =	sld [smem:$0x3F98];
	s0 =	simm.s32 @p0 $0x1  }
0x13: {  	[smem:$0x3FB3] =	sst s0;
	s0 =	simm.s32 @!p1 $0x0  }
0x14: {  	s2 =	sld [smem:$0x3F97];
	s0 =	simm.s32 @p1 $0x1  }
0x15: {  	[smem:$0x3FB4] =	sst s0;
	s0 =	simm.s32 @!p2 $0x0  }
0x16: {  	s3 =	sld [smem:$0x3FDB];
	s0 =	simm.s32 @p2 $0x1  }
0x17: {  	s4 =	simm.s32 $0x1BF5;
	[smem:$0x3FB6] =	sst s0  }
0x18: {  	s0 =	sld [smem:$0x3F99];
	_ =	swait.ge [sflag:s4], $0x0  }
0x19: {  	s7 =	sld [smem:$0x3F9A]  }
0x1a: {  	s8 =	sadd.s32 $0xFFFFE003, lr  }
0x1b: {  	s9 =	sadd.s32 $0xFFFFFEF7, lr;
	s5 =	simm.s32 $0xFFFFFFFF;
	p2 =	slt.u32 s8, $0xFFFFF086  }
0x1c: {  	p1 =	slt.u32 s9, $0xF7A;
	s5 =	simm.s32 @!p2 $0x0  }
0x1d: {  	s5 =	simm.s32 @p1 $0x1;
	p0 =	seq.s32 s7, s2  }
0x1e: {  	s7 =	smul.u32 @!p0 $0xF7A, s2;
	p2 =	seq.s32 @!p0 s5, $0x0  }
0x1f: {  	s9 =	smul.u32 $0xF7A, s1;
	s8 =	simm.s32 @!p0 $0x1BF5;
	p2 =	por !p2, p0  }
0x20: {  	[sflag:s8] =	ssyncset.s32 @!p0 $0xFFFFF086;
	s6 =	sadd.s32 @!p0 s3, s7;
	s7 =	simm.s32 @!p0 $0x108  }
0x21: {  	s3 =	sadd.s32 s3, s9;
	s6 =	sadd.s32 @!p0 $0x88, s6;
	s7 =	simm.s32 @p2 $0x1082  }
0x22: {  	[simem:s7], [sflag:s8] =	dma.local @!p0 [hbm:s6], $0xF7A  }
0x23: {  	s9 =	sor.u32 $0xD0000000, s2;
	s6 =	simm.s32 $0x108;
	_ =	swait.ge @!p0 [sflag:s8], $0x0  }
0x24: {  	s3 =	sadd.s32 $0x88, s3;
	s6 =	simm.s32 @!p1 $0x1082;
	[sflag:s4] =	ssyncset.s32 $0xFFFFF086  }
0x25: {  	[simem:s6], [sflag:s4] =	dma.local [hbm:s3], $0xF7A  }
0x26: {  	[smem:$0x3F9A] =	sst s1;
	(tag) =	ssettag s2;
	_ =	strace s9  }
0x27: {  	s1 =	sld [smem:$0x3FAA]  }
0x28: {  	s2 =	sld [smem:$0x3FAB]  }
0x29: {  	s4 =	sld [smem:$0x3FAD]  }
0x2a: {  	p0 =	seq.s32 s5, $0x0;
	s5 =	sld [smem:$0x3FAE]  }
0x2b: {  	s6 =	sld [smem:$0x3FAF]  }
0x2c: {  	s7 =	sld [smem:$0x3FB0]  }
0x2d: {  	s3 =	simm.s32 $0x108;
	s8 =	sld [smem:$0x3FB1]  }
0x2e: {  	s3 =	simm.s32 @!p0 $0x1082;
	s9 =	sld [smem:$0x3FB2]  }
0x2f: {  	lr =	sadd.s32 s0, s3;
	s0 =	sld [smem:$0x3FA9]  }
0x30: {  	s3 =	sld [smem:$0x3FAC]  }
0x31: {  	[smem:$0x3FB5] =	sst s10  }
0x32: {  	s10 =	sld [smem:$0x3FB3];
	_ =	sdelay $0x3  }
0x33: {  	p0 =	seq.s32 s10, $0x1;
	s10 =	sld [smem:$0x3FB5];
	_ =	sdelay $0x3  }
0x34: {  	[smem:$0x3FB5] =	sst s10  }
0x35: {  	s10 =	sld [smem:$0x3FB4];
	_ =	sdelay $0x3  }
0x36: {  	p1 =	seq.s32 s10, $0x1;
	s10 =	sld [smem:$0x3FB5];
	_ =	sdelay $0x3  }
0x37: {  	[smem:$0x3FB5] =	sst s10  }
0x38: {  	s10 =	sld [smem:$0x3FB6]  }
0x39: {  	_ = 	snop;
	(pc) =	sbr.ind lr, $3  }
0x3a: {  	_ = 	snop  }
0x3b: {  	_ = 	snop  }
0x3c: {  	p2 =	seq.s32 s10, $0x1;
	s10 =	sld [smem:$0x3FB5]  }
0x3d: {  	_ =	shalt  }
0x3e: {  	_ =	shalt  }
0x3f: {  	_ =	shalt  }
0x40: {  	_ =	shalt  }
0x41: {  	_ =	shalt  }
0x42: {  	_ =	shalt  }
0x43: {  	_ =	shalt  }
0x44: {  	_ =	shalt  }
0x45: {  	_ =	shalt  }
0x46: {  	_ =	shalt  }
0x47: {  	_ =	shalt  }
0x48: {  	_ =	shalt  }
0x49: {  	_ =	shalt  }
0x4a: {  	_ =	shalt  }
0x4b: {  	_ =	shalt  }
0x4c: {  	_ =	shalt  }
0x4d: {  	_ =	shalt  }
0x4e: {  	_ =	shalt  }
0x4f: {  	_ =	shalt  }
0x50: {  	_ =	shalt  }
0x51: {  	_ =	shalt  }
0x52: {  	_ =	shalt  }
0x53: {  	_ =	shalt  }
0x54: {  	_ =	shalt  }
0x55: {  	_ =	shalt  }
0x56: {  	_ =	shalt  }
0x57: {  	_ =	shalt  }
0x58: {  	_ =	shalt  }
0x59: {  	_ =	shalt  }
0x5a: {  	_ =	shalt  }
0x5b: {  	_ =	shalt  }
0x5c: {  	_ =	shalt  }
0x5d: {  	_ =	shalt  }
0x5e: {  	_ =	shalt  }
0x5f: {  	_ =	shalt  }
0x60: {  	_ =	shalt  }
0x61: {  	_ =	shalt  }
0x62: {  	_ =	shalt  }
0x63: {  	_ =	shalt  }
0x64: {  	_ =	shalt  }
0x65: {  	_ =	shalt  }
0x66: {  	_ =	shalt  }
0x67: {  	_ =	shalt  }
0x68: {  	_ =	shalt  }
0x69: {  	_ =	shalt  }
0x6a: {  	_ =	shalt  }
0x6b: {  	_ =	shalt  }
0x6c: {  	_ =	shalt  }
0x6d: {  	_ =	shalt  }
0x6e: {  	_ =	shalt  }
0x6f: {  	_ =	shalt  }
0x70: {  	_ =	shalt  }
0x71: {  	_ =	shalt  }
0x72: {  	_ =	shalt  }
0x73: {  	_ =	shalt  }
0x74: {  	_ =	shalt  }
0x75: {  	_ =	shalt  }
0x76: {  	_ =	shalt  }
0x77: {  	_ =	shalt  }
0x78: {  	_ =	shalt  }
0x79: {  	_ =	shalt  }
0x7a: {  	_ =	shalt  }
0x7b: {  	_ =	shalt  }
0x7c: {  	_ =	shalt  }
0x7d: {  	_ =	shalt  }
0x7e: {  	_ =	shalt  }
0x7f: {  	_ =	shalt  }
0x80: {  	_ =	shalt  }
0x81: {  	_ =	shalt  }
0x82: {  	_ =	shalt  }
0x83: {  	_ =	shalt  }
0x84: {  	_ =	shalt  }
0x85: {  	_ =	shalt  }
0x86: {  	_ =	shalt  }
0x87: {  	_ =	shalt  }
.Lfunc_end0:
.L_simem_size_0:
called_computation_lowered:
.L_overlay_start_0:
0x88: {  	s2 =	sld [smem:$0x3FD9]  }
0x89: {  	s3 =	sld [smem:$0x3FFE];
	_ =	sdelay $0x1  }
0x8a: {  	s1 =	srdreg.scid  }
0x8b: {  	s0 =	sand.u32 $0x1, s1  }
0x8c: {  	s17 =	sshll.u32 s0, $0xA;
	s2 =	sadd.s32 s3, s2  }
0x8d: {  	s2 =	sadd.s32 s2, s17  }
0x8e: {  	[smem:$0x3FC1] =	sst s2  }
0x8f: {  	_ = 	snop  }
0x90: {  	s2 =	sld [smem:$0x3FC8]  }
0x91: {  	s18 =	sld [smem:$0x3FC7]  }
0x92: {  	s4 =	sld [smem:$0x3FD0];
	(tm) =	ssettm $0x1  }
0x93: {  	s5 =	sld [smem:$0x3FFB];
	_ =	sdelay $0x3  }
0x94: {  	_ =	strace s5  }
0x95: {  	s5 =	sld [smem:$0x3FFC];
	_ =	sdelay $0x3  }
0x96: {  	_ =	strace s5  }
0x97: {  	s5 =	sld [smem:$0x3FFD];
	_ =	sdelay $0x3  }
0x98: {  	_ =	strace s5  }
0x99: {  	_ =	strace $0x8FFFFFFF  }
0x9a: {  	s19 =	sld [smem:$0x3FDB];
	_ =	sdelay $0x1  }
0x9b: {  	s6 =	simm.s32 $_scs_section_size  }
0x9c: {  	s7 =	simm.s32 $_size__tile_overlayer_lowered;
	s8 =	simm.s32 $_tile_overlayer_lowered  }
0x9d: {  	s22 =	simm.s32 $0x1BFF;
	s21 =	sshll.u32 s8, $0x1;
	s5 =	sadd.s32 s6, s19  }
0x9e: {  	s9 =	simm.s32 $0x0;
	s20 =	sshll.u32 s7, $0x1;
	s7 =	sadd.s32 s21, s5  }
0x9f: {  	[timem:s9], [sflag:s22] =	dma.local [hbm:s7], s20  }
0xa0: {  	_ =	swait.ge [sflag:s22], s20  }
0xa1: {  	s6 =	ssub.s32 $0x0, s20;
	[sflag:s22] =	ssyncset.done $0x0  }
0xa2: {  	[sflag:s22] =	ssyncadd.s32 s6;
	_ =	sdelay $0x1  }
0xa3: {  	s23 =	simm.s32 $0x1B8B  }
0xa4: {  	_ =	swait.ge [sflag:s23], $0x1  }
0xa5: {  	[sflag:s23] =	ssyncset.done $0x0  }
0xa6: {  	s25 =	simm.s32 $0x1B8E;
	s24 =	sld [smem:$0x3FFE];
	[sflag:s23] =	ssyncadd.s32 $0xFFFFFFFF  }
0xa7: {  	s26 =	simm.s32 $execute0_lowered;
	[smem:$0x3FD2] =	sst s25  }
0xa8: {  	s7 =	sshll.u32 s26, $0x1;
	_ =	strace $0x80000046;
	[dreg:$0x1] =	wrdreg $0xFFFFFFFF  }
0xa9: {  	s28 =	simm.s32 $_size_execute0_lowered;
	s5 =	sadd.s32 s5, s7;
	[dreg:$0x0] =	wrdreg $0x0  }
0xaa: {  	s7 =	sshll.u32 s28, $0x1;
	[dreg:$0x2] =	wrdreg s5  }
0xab: {  	[dreg:$0x3] =	wrdreg s7  }
0xac: {  	[dreg:$0x4] =	wrdreg $0xC0  }
0xad: {  	_ =	task [dreg:s9], $0x5FFFF  }
0xae: {  	[dreg:$0x1] =	wrdreg $0xFFFFFFFF  }
0xaf: {  	[dreg:$0x0] =	wrdreg $0x60  }
0xb0: {  	[dreg:$0x2] =	wrdreg s4  }
0xb1: {  	[dreg:$0x3] =	wrdreg s2  }
0xb2: {  	[dreg:$0x4] =	wrdreg s18  }
0xb3: {  	[dreg:$0x5] =	wrdreg s24  }
0xb4: {  	[dreg:$0x6] =	wrdreg $0x9  }
0xb5: {  	_ =	task.clear_ibuf [dreg:s9], $0x7FFFF;
	_ =	strace $0x90000046  }
0xb6: {  	s29 =	simm.s32 $0x9;
	_ =	strace $0x80000048  }
0xb7: {  	_ =	swait.ge [sflag:s29], $0x1  }
0xb8: {  	[sflag:s29] =	ssyncadd.s32 $0xFFFFFFFF  }
0xb9: {  	_ =	strace $0x90000048  }
0xba: {  	_ =	sfence  }
0xbb: {  	s30 =	sld [smem:$0x0];
	_ =	sdelay $0x2  }
0xbc: {  	s31 =	sshll.u32 s1, $0xD;
	s1 =	sshrl.u32 s1, $0x2  }
0xbd: {  	s3 =	sand.u32 $0x4000, s31;
	s1 =	sadd.s32 s1, s30  }
0xbe: {  	s0 =	sor.u32 s3, s0;
	s1 =	sshll.u32 s1, $0x11  }
0xbf: {  	s0 =	sor.u32 s1, s0  }
0xc0: {  	s0 =	sadd.s32 $0x8F2B, s0  }
0xc1: {  	[sflag:s0] =	ssyncadd.remote.s32 $0x1  }
0xc2: {  	_ =	sfence.sel $0xFFFF  }
0xc3: {  	[dreg:$0x0] =	wrdreg $0xFFFFFFFF;
	(pc) =	sbr.abs _section_cstart, $3  }
0xc4: {  	[dreg:$0x1] =	wrdreg $0xFFFFFFFF  }
0xc5: {  	_ =	task.clear_ibuf [dreg:s9], $0x2FFFF;
	_ =	strace $0x9FFFFFFF  }
0xc6: {  	(tm) =	ssettm $0x7FFFFFFF  }
0xc7: {  	_ =	shalt  }
tec
execute0_lowered:
.L_overlay_start_1:
0x0: {  	(tag) =	ssettag $0x1  }
0x1: {  	v0 =	vimm.s32 $0xFEDCBA98;
	v1 =	vimm.s32 $0x76543000  }
0x2: {  	v0 =	vunpack.c.l.s4.s8 v0;
	v1 =	vunpack.c.l.s4.s8 v1;
	_ =	sdelay $0x1  }
0x3: {  	s0 =	rddreg [dreg:$0x0];
	v0 =	vunpack.c.0.s8.s32 v0;
	v1 =	vunpack.c.0.s8.s32 v1  }
0x4: {  	s1 =	rddreg [dreg:$0x1]  }
0x5: {  	s2 =	rddreg [dreg:$0x2];
	s3 =	simm.s32 $0x0;
	v0 =	vcombine.low v1, v0  }
0x6: {  	[smem:$0x7FF] =	sst s3  }
0x7: {  	s4 =	rddreg [dreg:$0x3];
	_ =	strace $0x80000047;
	v0 =	vand.u32 $0xF, v0  }
0x8: {  	(xrf1) =	vunique.msk.u32 $0xffff, v0;
	_ =	sdelay $0xd  }
0x9: {  	_, v0, _ =	vpop (xrf1)  }
0xa: {  	v0 =	vxor.u32 $0x80000000, v0  }
0xb: {  	(xrf0) =	vmax.scan.msk.u32 $0xffff, v0;
	_ =	sdelay $0x5  }
0xc: {  	v0, _, _ =	vpop (xrf0)  }
0xd: {  	(v2sf) =	vpush v0, $0xF;
	_ =	sdelay $0x4  }
0xe: {  	s5 =	srdreg.scid;
	s6 =	stileid.u32;
	s13 =	simm.s32 $0x5  }
0xf: {  	s16 =	simm.s32 $0x1DEE0;
	s17 =	simm.s32 $0x1EBE0;
	s18 =	simm.s32 $0x1  }
0x10: {  	s19 =	simm.s32 $0x3;
	s20 =	simm.s32 $0x9C80;
	s21 =	simm.s32 $0xC400  }
0x11: {  	s22 =	simm.s32 $0xEB80;
	s23 =	simm.s32 $0x11300;
	s28 =	simm.s32 $0x1B100  }
0x12: {  	s29 =	simm.s32 $0x2;
	s5 =	sand.u32 $0x1, s5;
	s6 =	sshll.u32 s6, $0x1  }
0x13: {  	s30 =	simm.s32 $0x4;
	s31 =	simm.s32 $0x0;
	s6 =	sor.u32 s5, s6  }
0x14: {  	s26 =	sadd.s32 $0xC8, s1;
	s5 =	ssub.s32 $0x2, s5;
	s6 =	smul.u32 $0x9C40, s6  }
0x15: {  	[dreg:$0x6] =	wrdreg s26;
	s26 =	simm.s32 $0x18980;
	s7 =	sshrl.u32 s5, $0x1  }
0x16: {  	s5 =	ssub.s32 s5, s7;
	s7 =	sadd.s32 $0xC8, s2;
	s6 =	sshrl.u32 s6, $0x3  }
0x17: {  	s12 =	smax.u32 s5, $0x1;
	s4 =	sadd.s32 s6, s4;
	s0 =	sadd.s32 s0, s6  }
0x18: {  	[dreg:$0x5] =	wrdreg s0;
	s8 =	sadd.s32 $0xC00, s4;
	s24 =	spop (v2sf)  }
0x19: {  	v2 =	vimm.s32 $0x0;
	s9 =	sadd.s32 $0x10E2, s4;
	s10 =	sadd.s32 $0x15C4, s4;
	s25 =	sxor.u32 $0x80000000, s24  }
0x1a: {  	vm0 =	vmxor vm0, vm0;
	v1 =	vimm.f32 $0.0e+00;
	s11 =	sadd.s32 $0x1AA6, s4;
	s24 =	simm.s32 $0x13A80;
	v0 =	vmov s25;
	s25 =	simm.s32 $0x16200  }
.LBB2_1:
0x1b: {  	s0 =	rddreg [dreg:$0x5]  }
0x1c: {  	[tilespmem:s3], [sflag:$0x5] =	stream.linear.gather [hbm4b:s0+s3], $0x9C40, $0x38;
	[tilespmem:$0x1F280] =	vst v63  }
0x1d: {  	_ =	swait.ge [sflag:s13], $0x9C40  }
0x1e: {  	[sflag:s13] =	ssyncset.done $0x0  }
0x1f: {  	s4 =	simm.s32 $0x40;
	s0 =	simm.s32 $0x0;
	[sflag:s13] =	ssyncadd.s32 $0xFFFF63C0  }
.LBB2_2:
0x20: {  	p0 =	sne.s32 s4, $0x9C00;
	[tilespmem:s0+$0x1B100] =	vst v1  }
0x21: {  	[tilespmem:s0+$0x9C80] =	vst v1  }
0x22: {  	[tilespmem:s0+$0x13A80] =	vst v1  }
.Ltmp0:
0x23: {  	[tilespmem:s0+$0xC400] =	vst v1;
	(pc) =	sbr.rel @p0 .LBB2_2-.Ltmp0, $4  }
0x24: {  	[tilespmem:s0+$0x16200] =	vst v1  }
0x25: {  	[tilespmem:s0+$0xEB80] =	vst v1  }
0x26: {  	[tilespmem:s0+$0x18980] =	vst v1  }
0x27: {  	[tilespmem:s0+$0x11300] =	vst v1;
	s0 =	sshra.s32 s4, $0x2;
	s4 =	sadd.s32 $0x40, s4  }
0x28: {  	[tilespmem:s0+$0x1B100] =	vst v1  }
0x29: {  	[tilespmem:s0+$0x9C80] =	vst v1  }
0x2a: {  	[tilespmem:s0+$0x13A80] =	vst v1  }
0x2b: {  	[tilespmem:s0+$0xC400] =	vst v1  }
0x2c: {  	[tilespmem:s0+$0x16200] =	vst v1  }
0x2d: {  	[tilespmem:s0+$0xEB80] =	vst v1  }
0x2e: {  	[tilespmem:s0+$0x18980] =	vst v1  }
0x2f: {  	[tilespmem:s0+$0x11300] =	vst v1  }
0x30: {  	[tilespmem:$0x1DEC0] =	vst v2  }
0x31: {  	[tilespmem:$0x1EBC0] =	vst v2  }
0x32: {  	[tilespmem:$0x1DED0] =	vst v2  }
0x33: {  	[tilespmem:$0x1EBD0] =	vst v2  }
0x34: {  	[tilespmem:$0x1E520] =	vst v2  }
0x35: {  	[tilespmem:$0x1F220] =	vst v2  }
0x36: {  	[tilespmem:$0x1E530] =	vst v2  }
0x37: {  	s0 =	simm.s32 $0x0;
	s4 =	simm.s32 $0x1D880;
	[tilespmem:$0x1F230] =	vst v2  }
0x38: {  	[tilespmem:s4], [sflag:$0x1] =	stream.linear.gather [hbm4b:s1+s0], $0x640, $0x38;
	[tilespmem:$0x1F280] =	vst v63  }
0x39: {  	s14 =	simm.s32 $0x1E580  }
0x3a: {  	[tilespmem:s14], [sflag:$0x3] =	stream.linear.gather [hbm4b:s2+s0], $0x640, $0x38;
	[tilespmem:$0x1F280] =	vst v63  }
0x3b: {  	s15 =	rddreg [dreg:$0x6]  }
0x3c: {  	[tilespmem:s16], [sflag:$0x2] =	stream.linear.gather [hbm4b:s15+s0], $0x640, $0x38;
	[tilespmem:$0x1F280] =	vst v63  }
0x3d: {  	_ = 	snop  }
0x3e: {  	[tilespmem:s17], [sflag:$0x4] =	stream.linear.gather [hbm4b:s7+s0], $0x640, $0x38;
	[tilespmem:$0x1F280] =	vst v63  }
.LBB2_4:
0x3f: {  	_ =	swait.ge [sflag:s18], $0x640  }
0x40: {  	[sflag:s18] =	ssyncset.done $0x0  }
0x41: {  	[sflag:s18] =	ssyncadd.s32 $0xFFFFF9C0  }
0x42: {  	_ =	swait.ge [sflag:s19], $0x640  }
0x43: {  	[sflag:s19] =	ssyncset.done $0x0  }
0x44: {  	[sflag:s19] =	ssyncadd.s32 $0xFFFFF9C0  }
0x45: {  	v5 =	vld [tilespmem:$0x1D880];
	_ =	sdelay $0x3  }
0x46: {  	v6 =	vld [tilespmem:$0x1D890]  }
0x47: {  	v7 =	vadd.s32 $0x2710, v5  }
0x48: {  	v8 =	vadd.s32 $0x4E20, v5  }
0x49: {  	v3 =	vld [tilespmem:$0x1E580];
	v9 =	vadd.s32 $0x7530, v5  }
0x4a: {  	v4 =	vld [tilespmem:$0x1E590]  }
0x4b: {  	v14 =	vadd.s32 $0x4E20, v6;
	v10 =	vld.idx.msk [tilespmem:v5+s3+$0x0], $0xffff  }
0x4c: {  	v5 =	vadd.s32 $0x2710, v6;
	v11 =	vld.idx.msk [tilespmem:v7+s3+$0x0], $0xffff  }
0x4d: {  	v12 =	vld.idx.msk [tilespmem:v8+s3+$0x0], $0xffff;
	v8 =	vadd.s32 $0x7530, v6  }
0x4e: {  	v13 =	vld.idx.msk [tilespmem:v9+s3+$0x0], $0xffff  }
0x4f: {  	v6 =	vld.idx.msk [tilespmem:v6+s3+$0x0], $0xffff  }
0x50: {  	v9 =	vld.idx.msk [tilespmem:v14+s3+$0x0], $0xffff  }
0x51: {  	v7 =	vld.idx.msk [tilespmem:v5+s3+$0x0], $0xffff  }
0x52: {  	s4 =	simm.s32 $0xFFFFFFFE;
	s5 =	simm.s32 $0x1E5B0;
	s14 =	simm.s32 $0x1D8D0;
	vm1 =	vmmov vm0;
	v8 =	vld.idx.msk [tilespmem:v8+s3+$0x0], $0xffff  }
.LBB2_5:
0x53: {  	v14 =	vld [tilespmem:s14+$0xFFFFFFD0]  }
0x54: {  	v15 =	vld [tilespmem:s14+$0xFFFFFFE0]  }
0x55: {  	v18 =	vld [tilespmem:s5+$0xFFFFFFF0]  }
0x56: {  	v5 =	vld [tilespmem:s5+$0x0]  }
0x57: {  	v23 =	vld.idx.msk [tilespmem:v3+s20+$0x0], $0xffff  }
0x58: {  	v24 =	vld.idx.msk [tilespmem:v3+s21+$0x0], $0xffff;
	v16 =	vadd.s32 $0x2710, v14  }
0x59: {  	v25 =	vld.idx.msk [tilespmem:v3+s22+$0x0], $0xffff;
	v17 =	vadd.s32 $0x4E20, v14  }
0x5a: {  	v26 =	vld.idx.msk [tilespmem:v3+s23+$0x0], $0xffff;
	v19 =	vadd.s32 $0x7530, v14  }
0x5b: {  	v20 =	vadd.s32 $0x2710, v15;
	v14 =	vld.idx.msk [tilespmem:v14+s3+$0x0], $0xffff  }
0x5c: {  	v22 =	vadd.s32 $0x4E20, v15;
	v21 =	vld.idx.msk [tilespmem:v15+s3+$0x0], $0xffff  }
0x5d: {  	v15 =	vadd.s32 $0x7530, v15;
	v16 =	vld.idx.msk [tilespmem:v16+s3+$0x0], $0xffff  }
0x5e: {  	v17 =	vld.idx.msk [tilespmem:v17+s3+$0x0], $0xffff  }
0x5f: {  	v19 =	vld.idx.msk [tilespmem:v19+s3+$0x0], $0xffff  }
0x60: {  	v20 =	vld.idx.msk [tilespmem:v20+s3+$0x0], $0xffff  }
0x61: {  	v10 =	vmax.f32 v23, v10;
	v22 =	vld.idx.msk [tilespmem:v22+s3+$0x0], $0xffff  }
0x62: {  	v11 =	vmax.f32 v24, v11;
	v15 =	vld.idx.msk [tilespmem:v15+s3+$0x0], $0xffff;
	[tilespmem:v3+s20+$0x0] =	vst.idx.msk $0xffff, v10  }
0x63: {  	v12 =	vmax.f32 v25, v12;
	[tilespmem:v3+s21+$0x0] =	vst.idx.msk $0xffff, v11  }
0x64: {  	v13 =	vmax.f32 v26, v13;
	[tilespmem:v3+s22+$0x0] =	vst.idx.msk $0xffff, v12  }
0x65: {  	[tilespmem:v3+s23+$0x0] =	vst.idx.msk $0xffff, v13  }
0x66: {  	v44 =	vld.idx.msk [tilespmem:v3+s20+$0x0], $0xffff  }
0x67: {  	v45 =	vld.idx.msk [tilespmem:v3+s21+$0x0], $0xffff  }
0x68: {  	v46 =	vld.idx.msk [tilespmem:v3+s22+$0x0], $0xffff  }
0x69: {  	v47 =	vld.idx.msk [tilespmem:v3+s23+$0x0], $0xffff;
	_ =	sdelay $0x1  }
0x6a: {  	vm2 =	vlt.f32 v44, v10  }
0x6b: {  	vm3 =	vlt.f32 v45, v11  }
0x6c: {  	vm4 =	vlt.f32 v46, v12  }
0x6d: {  	vm5 =	vlt.f32 v47, v13;
	_ =	sdelay $0x2  }
0x6e: {  	[tilespmem:v3+s20+$0x0] =	vst.idx.msk vm2, v10  }
0x6f: {  	[tilespmem:v3+s21+$0x0] =	vst.idx.msk vm3, v11  }
0x70: {  	[tilespmem:v3+s22+$0x0] =	vst.idx.msk vm4, v12  }
0x71: {  	[tilespmem:v3+s23+$0x0] =	vst.idx.msk vm5, v13  }
0x72: {  	v10 =	vld.idx.msk [tilespmem:v4+s24+$0x0], $0xffff  }
0x73: {  	v11 =	vld.idx.msk [tilespmem:v4+s25+$0x0], $0xffff  }
0x74: {  	v12 =	vld.idx.msk [tilespmem:v4+s26+$0x0], $0xffff  }
0x75: {  	v13 =	vld.idx.msk [tilespmem:v4+s28+$0x0], $0xffff;
	_ =	sdelay $0x1  }
0x76: {  	v6 =	vmax.f32 v10, v6  }
0x77: {  	v7 =	vmax.f32 v11, v7;
	[tilespmem:v4+s24+$0x0] =	vst.idx.msk $0xffff, v6  }
0x78: {  	v9 =	vmax.f32 v12, v9;
	[tilespmem:v4+s25+$0x0] =	vst.idx.msk $0xffff, v7  }
0x79: {  	v8 =	vmax.f32 v13, v8;
	[tilespmem:v4+s26+$0x0] =	vst.idx.msk $0xffff, v9  }
0x7a: {  	[tilespmem:v4+s28+$0x0] =	vst.idx.msk $0xffff, v8  }
0x7b: {  	v10 =	vld.idx.msk [tilespmem:v4+s24+$0x0], $0xffff  }
0x7c: {  	v11 =	vld.idx.msk [tilespmem:v4+s25+$0x0], $0xffff  }
0x7d: {  	v12 =	vld.idx.msk [tilespmem:v4+s26+$0x0], $0xffff  }
0x7e: {  	v13 =	vld.idx.msk [tilespmem:v4+s28+$0x0], $0xffff;
	_ =	sdelay $0x1  }
0x7f: {  	vm2 =	vlt.f32 v10, v6  }
0x80: {  	vm3 =	vlt.f32 v11, v7  }
0x81: {  	vm10 =	vlt.f32 v12, v9  }
0x82: {  	vm11 =	vlt.f32 v13, v8;
	_ =	sdelay $0x2  }
0x83: {  	[tilespmem:v4+s24+$0x0] =	vst.idx.msk vm2, v6  }
0x84: {  	[tilespmem:v4+s25+$0x0] =	vst.idx.msk vm3, v7  }
0x85: {  	[tilespmem:v4+s26+$0x0] =	vst.idx.msk vm10, v9  }
0x86: {  	[tilespmem:v4+s28+$0x0] =	vst.idx.msk vm11, v8  }
0x87: {  	v6 =	vld [tilespmem:s14+$0xFFFFFFF0];
	_ =	sdelay $0x1  }
0x88: {  	v8 =	vld [tilespmem:s14+$0x0]  }
0x89: {  	(xrf1) =	vunique.msk.u32 $0xffff, v3;
	v3 =	vld [tilespmem:s5+$0x10]  }
0x8a: {  	(xrf1) =	vunique.msk.u32 $0xffff, v4;
	v4 =	vld [tilespmem:s5+$0x20]  }
0x8b: {  	v49 =	vld.idx.msk [tilespmem:v18+s20+$0x0], $0xffff;
	v9 =	vadd.s32 $0x4E20, v6  }
0x8c: {  	v50 =	vld.idx.msk [tilespmem:v18+s21+$0x0], $0xffff  }
0x8d: {  	v51 =	vld.idx.msk [tilespmem:v18+s22+$0x0], $0xffff;
	v7 =	vadd.s32 $0x2710, v6  }
0x8e: {  	v52 =	vld.idx.msk [tilespmem:v18+s23+$0x0], $0xffff;
	v13 =	vadd.s32 $0x7530, v6  }
0x8f: {  	v48 =	vadd.s32 $0x2710, v8;
	v10 =	vld.idx.msk [tilespmem:v6+s3+$0x0], $0xffff  }
0x90: {  	v12 =	vld.idx.msk [tilespmem:v9+s3+$0x0], $0xffff;
	v9 =	vadd.s32 $0x4E20, v8  }
0x91: {  	v6 =	vld.idx.msk [tilespmem:v8+s3+$0x0], $0xffff;
	v8 =	vadd.s32 $0x7530, v8  }
0x92: {  	v11 =	vld.idx.msk [tilespmem:v7+s3+$0x0], $0xffff  }
0x93: {  	v13 =	vld.idx.msk [tilespmem:v13+s3+$0x0], $0xffff  }
0x94: {  	v7 =	vld.idx.msk [tilespmem:v48+s3+$0x0], $0xffff  }
0x95: {  	v14 =	vmax.f32 v49, v14;
	v9 =	vld.idx.msk [tilespmem:v9+s3+$0x0], $0xffff  }
0x96: {  	v16 =	vmax.f32 v50, v16;
	v8 =	vld.idx.msk [tilespmem:v8+s3+$0x0], $0xffff;
	[tilespmem:v18+s20+$0x0] =	vst.idx.msk $0xffff, v14  }
0x97: {  	v17 =	vmax.f32 v51, v17;
	[tilespmem:v18+s21+$0x0] =	vst.idx.msk $0xffff, v16  }
0x98: {  	v19 =	vmax.f32 v52, v19;
	[tilespmem:v18+s22+$0x0] =	vst.idx.msk $0xffff, v17  }
0x99: {  	[tilespmem:v18+s23+$0x0] =	vst.idx.msk $0xffff, v19  }
0x9a: {  	v53 =	vld.idx.msk [tilespmem:v18+s20+$0x0], $0xffff  }
0x9b: {  	v54 =	vld.idx.msk [tilespmem:v18+s21+$0x0], $0xffff  }
0x9c: {  	v55 =	vld.idx.msk [tilespmem:v18+s22+$0x0], $0xffff  }
0x9d: {  	v56 =	vld.idx.msk [tilespmem:v18+s23+$0x0], $0xffff;
	_ =	sdelay $0x1  }
0x9e: {  	vm2 =	vlt.f32 v53, v14  }
0x9f: {  	vm3 =	vlt.f32 v54, v16  }
0xa0: {  	vm12 =	vlt.f32 v55, v17  }
0xa1: {  	vm13 =	vlt.f32 v56, v19;
	_ =	sdelay $0x2  }
0xa2: {  	[tilespmem:v18+s20+$0x0] =	vst.idx.msk vm2, v14  }
0xa3: {  	[tilespmem:v18+s21+$0x0] =	vst.idx.msk vm3, v16  }
0xa4: {  	[tilespmem:v18+s22+$0x0] =	vst.idx.msk vm12, v17  }
0xa5: {  	[tilespmem:v18+s23+$0x0] =	vst.idx.msk vm13, v19  }
0xa6: {  	v14 =	vld.idx.msk [tilespmem:v5+s24+$0x0], $0xffff  }
0xa7: {  	v16 =	vld.idx.msk [tilespmem:v5+s25+$0x0], $0xffff  }
0xa8: {  	v17 =	vld.idx.msk [tilespmem:v5+s26+$0x0], $0xffff  }
0xa9: {  	v19 =	vld.idx.msk [tilespmem:v5+s28+$0x0], $0xffff;
	_ =	sdelay $0x1  }
0xaa: {  	v14 =	vmax.f32 v14, v21  }
0xab: {  	(xrf1) =	vunique.msk.u32 $0xffff, v18;
	v16 =	vmax.f32 v16, v20;
	[tilespmem:v5+s24+$0x0] =	vst.idx.msk $0xffff, v14  }
0xac: {  	(xrf1) =	vunique.msk.u32 $0xffff, v5;
	v17 =	vmax.f32 v17, v22;
	[tilespmem:v5+s25+$0x0] =	vst.idx.msk $0xffff, v16  }
0xad: {  	v15 =	vmax.f32 v19, v15;
	[tilespmem:v5+s26+$0x0] =	vst.idx.msk $0xffff, v17  }
0xae: {  	[tilespmem:v5+s28+$0x0] =	vst.idx.msk $0xffff, v15  }
0xaf: {  	v57 =	vld.idx.msk [tilespmem:v5+s24+$0x0], $0xffff  }
0xb0: {  	v58 =	vld.idx.msk [tilespmem:v5+s25+$0x0], $0xffff  }
0xb1: {  	v59 =	vld.idx.msk [tilespmem:v5+s26+$0x0], $0xffff  }
0xb2: {  	v60 =	vld.idx.msk [tilespmem:v5+s28+$0x0], $0xffff;
	_ =	sdelay $0x1  }
0xb3: {  	vm2 =	vlt.f32 v57, v14  }
0xb4: {  	vm3 =	vlt.f32 v58, v16  }
0xb5: {  	vm14 =	vlt.f32 v59, v17  }
0xb6: {  	s4 =	sadd.s32 $0x2, s4;
	_, v61, _ =	vpop (xrf1);
	vm15 =	vlt.f32 v60, v15  }
0xb7: {  	p0 =	slt.u32 s4, $0x30;
	_, v62, _ =	vpop (xrf1)  }
.Ltmp1:
0xb8: {  	vm6 =	vge.s32 v61, v0;
	vm7 =	vge.s32 v62, v0;
	_, v63, _ =	vpop (xrf1);
	(pc) =	sbr.rel @p0 .LBB2_5-.Ltmp1, $4  }
0xb9: {  	vm6 =	vmor vm6, vm7;
	[tilespmem:v5+s24+$0x0] =	vst.idx.msk vm2, v14;
	vm2 =	vge.s32 v63, v0;
	_, v14, _ =	vpop (xrf1)  }
0xba: {  	vm2 =	vmor vm6, vm2;
	[tilespmem:v5+s25+$0x0] =	vst.idx.msk vm3, v16;
	vm3 =	vge.s32 v14, v0  }
0xbb: {  	[tilespmem:v5+s26+$0x0] =	vst.idx.msk vm14, v17;
	vm2 =	vmor vm2, vm3  }
0xbc: {  	s5 =	sadd.s32 $0x40, s5;
	s14 =	sadd.s32 $0x40, s14;
	[tilespmem:v5+s28+$0x0] =	vst.idx.msk vm15, v15;
	vm1 =	vmor vm1, vm2  }
0xbd: {  	v3 =	vsel vm1, $0x3F800000, v1  }
0xbe: {  	(xrf0) =	vmax.scan.msk.f32 $0xffff, v3;
	_ =	sdelay $0x5  }
0xbf: {  	v3, _, _ =	vpop (xrf0)  }
0xc0: {  	(v2sf) =	vpush v3, $0xF;
	_ =	sdelay $0xe  }
0xc1: {  	s4 =	spop (v2sf)  }
0xc2: {  	p0 =	sgt.f32 s4, $0.0e+00  }
.Ltmp2:
0xc3: {  	_ = 	snop;
	(pc) =	sbr.rel @p0 .LBB2_7-.Ltmp2, $2  }
0xc4: {  	_ =	sdelay $0x2  }
0xc5: {  	s4 =	simm.s32 $0x0  }
.LBB2_14:
0xc6: {  	p0 =	seq.s32 s0, $0x63  }
0xc7: {  	s4 =	smul.u32 @!p0 $0xC80, s0;
	_ =	sdelay $0x1  }
0xc8: {  	s4 =	sshrl.u32 @!p0 s4, $0x3  }
0xc9: {  	s4 =	sadd.s32 @!p0 $0x190, s4  }
0xca: {  	s14 =	simm.s32 @!p0 $0x0;
	s15 =	simm.s32 @!p0 $0x1D880;
	s5 =	sadd.s32 @!p0 s1, s4  }
0xcb: {  	[tilespmem:s15], [sflag:$0x1] =	stream.linear.gather @!p0 [hbm4b:s5+s14], $0x640, $0x38;
	[tilespmem:$0x1F280] =	vst v63  }
0xcc: {  	s4 =	sadd.s32 @!p0 s2, s4;
	s5 =	simm.s32 @!p0 $0x1E580  }
0xcd: {  	[tilespmem:s5], [sflag:$0x3] =	stream.linear.gather @!p0 [hbm4b:s4+s14], $0x640, $0x38;
	[tilespmem:$0x1F280] =	vst v63  }
0xce: {  	_ =	swait.ge [sflag:s29], $0x640  }
0xcf: {  	[sflag:s29] =	ssyncset.done $0x0  }
0xd0: {  	[sflag:s29] =	ssyncadd.s32 $0xFFFFF9C0  }
0xd1: {  	_ =	swait.ge [sflag:s30], $0x640  }
0xd2: {  	[sflag:s30] =	ssyncset.done $0x0  }
0xd3: {  	[sflag:s30] =	ssyncadd.s32 $0xFFFFF9C0  }
0xd4: {  	v5 =	vld [tilespmem:$0x1DEE0];
	_ =	sdelay $0x3  }
0xd5: {  	v6 =	vld [tilespmem:$0x1DEF0]  }
0xd6: {  	v7 =	vadd.s32 $0x2710, v5  }
0xd7: {  	v8 =	vadd.s32 $0x4E20, v5  }
0xd8: {  	v3 =	vld [tilespmem:$0x1EBE0];
	v9 =	vadd.s32 $0x7530, v5  }
0xd9: {  	s4 =	simm.s32 $0x0;
	v4 =	vld [tilespmem:$0x1EBF0]  }
0xda: {  	v14 =	vadd.s32 $0x4E20, v6;
	v10 =	vld.idx.msk [tilespmem:v5+s4+$0x0], $0xffff  }
0xdb: {  	v5 =	vadd.s32 $0x2710, v6;
	v11 =	vld.idx.msk [tilespmem:v7+s4+$0x0], $0xffff  }
0xdc: {  	v12 =	vld.idx.msk [tilespmem:v8+s4+$0x0], $0xffff;
	v8 =	vadd.s32 $0x7530, v6  }
0xdd: {  	v13 =	vld.idx.msk [tilespmem:v9+s4+$0x0], $0xffff  }
0xde: {  	v6 =	vld.idx.msk [tilespmem:v6+s4+$0x0], $0xffff  }
0xdf: {  	v9 =	vld.idx.msk [tilespmem:v14+s4+$0x0], $0xffff  }
0xe0: {  	v7 =	vld.idx.msk [tilespmem:v5+s4+$0x0], $0xffff  }
0xe1: {  	vm1 =	vmmov vm0;
	s15 =	simm.s32 $0x1DF30;
	s14 =	simm.s32 $0xFFFFFFFE;
	s5 =	simm.s32 $0x1EC30;
	v8 =	vld.idx.msk [tilespmem:v8+s4+$0x0], $0xffff  }
.LBB2_15:
0xe2: {  	s6 =	sand.u32 $0x7C0, s4;
	v15 =	vld [tilespmem:s15+$0xFFFFFFE0]  }
0xe3: {  	v14 =	vld [tilespmem:s6+$0x1DF00]  }
0xe4: {  	v5 =	vld [tilespmem:s5+$0xFFFFFFE0]  }
0xe5: {  	v23 =	vld.idx.msk [tilespmem:v3+s20+$0x0], $0xffff  }
0xe6: {  	v24 =	vld.idx.msk [tilespmem:v3+s21+$0x0], $0xffff  }
0xe7: {  	v25 =	vld.idx.msk [tilespmem:v3+s22+$0x0], $0xffff;
	v20 =	vadd.s32 $0x2710, v15  }
0xe8: {  	v26 =	vld.idx.msk [tilespmem:v3+s23+$0x0], $0xffff;
	v22 =	vadd.s32 $0x4E20, v15  }
0xe9: {  	v18 =	vld [tilespmem:s6+$0x1EC00];
	v16 =	vadd.s32 $0x2710, v14  }
0xea: {  	v17 =	vadd.s32 $0x4E20, v14;
	v21 =	vld.idx.msk [tilespmem:v15+s3+$0x0], $0xffff  }
0xeb: {  	v19 =	vadd.s32 $0x7530, v14;
	v14 =	vld.idx.msk [tilespmem:v14+s3+$0x0], $0xffff  }
0xec: {  	v15 =	vadd.s32 $0x7530, v15;
	v20 =	vld.idx.msk [tilespmem:v20+s3+$0x0], $0xffff  }
0xed: {  	v22 =	vld.idx.msk [tilespmem:v22+s3+$0x0], $0xffff  }
0xee: {  	v16 =	vld.idx.msk [tilespmem:v16+s3+$0x0], $0xffff  }
0xef: {  	v17 =	vld.idx.msk [tilespmem:v17+s3+$0x0], $0xffff  }
0xf0: {  	v10 =	vmax.f32 v23, v10;
	v19 =	vld.idx.msk [tilespmem:v19+s3+$0x0], $0xffff  }
0xf1: {  	v11 =	vmax.f32 v24, v11;
	v15 =	vld.idx.msk [tilespmem:v15+s3+$0x0], $0xffff;
	[tilespmem:v3+s20+$0x0] =	vst.idx.msk $0xffff, v10  }
0xf2: {  	v12 =	vmax.f32 v25, v12;
	[tilespmem:v3+s21+$0x0] =	vst.idx.msk $0xffff, v11  }
0xf3: {  	v13 =	vmax.f32 v26, v13;
	[tilespmem:v3+s22+$0x0] =	vst.idx.msk $0xffff, v12  }
0xf4: {  	[tilespmem:v3+s23+$0x0] =	vst.idx.msk $0xffff, v13  }
0xf5: {  	v44 =	vld.idx.msk [tilespmem:v3+s20+$0x0], $0xffff  }
0xf6: {  	v45 =	vld.idx.msk [tilespmem:v3+s21+$0x0], $0xffff  }
0xf7: {  	v46 =	vld.idx.msk [tilespmem:v3+s22+$0x0], $0xffff  }
0xf8: {  	v47 =	vld.idx.msk [tilespmem:v3+s23+$0x0], $0xffff;
	_ =	sdelay $0x1  }
0xf9: {  	vm2 =	vlt.f32 v44, v10  }
0xfa: {  	vm3 =	vlt.f32 v45, v11  }
0xfb: {  	vm4 =	vlt.f32 v46, v12  }
0xfc: {  	vm5 =	vlt.f32 v47, v13;
	_ =	sdelay $0x2  }
0xfd: {  	[tilespmem:v3+s20+$0x0] =	vst.idx.msk vm2, v10  }
0xfe: {  	[tilespmem:v3+s21+$0x0] =	vst.idx.msk vm3, v11  }
0xff: {  	[tilespmem:v3+s22+$0x0] =	vst.idx.msk vm4, v12  }
0x100: {  	[tilespmem:v3+s23+$0x0] =	vst.idx.msk vm5, v13  }
0x101: {  	v10 =	vld.idx.msk [tilespmem:v4+s24+$0x0], $0xffff  }
0x102: {  	v11 =	vld.idx.msk [tilespmem:v4+s25+$0x0], $0xffff  }
0x103: {  	v12 =	vld.idx.msk [tilespmem:v4+s26+$0x0], $0xffff  }
0x104: {  	v13 =	vld.idx.msk [tilespmem:v4+s28+$0x0], $0xffff;
	_ =	sdelay $0x1  }
0x105: {  	v6 =	vmax.f32 v10, v6  }
0x106: {  	v7 =	vmax.f32 v11, v7;
	[tilespmem:v4+s24+$0x0] =	vst.idx.msk $0xffff, v6  }
0x107: {  	v9 =	vmax.f32 v12, v9;
	[tilespmem:v4+s25+$0x0] =	vst.idx.msk $0xffff, v7  }
0x108: {  	v8 =	vmax.f32 v13, v8;
	[tilespmem:v4+s26+$0x0] =	vst.idx.msk $0xffff, v9  }
0x109: {  	[tilespmem:v4+s28+$0x0] =	vst.idx.msk $0xffff, v8  }
0x10a: {  	v10 =	vld.idx.msk [tilespmem:v4+s24+$0x0], $0xffff  }
0x10b: {  	v11 =	vld.idx.msk [tilespmem:v4+s25+$0x0], $0xffff  }
0x10c: {  	v12 =	vld.idx.msk [tilespmem:v4+s26+$0x0], $0xffff  }
0x10d: {  	v13 =	vld.idx.msk [tilespmem:v4+s28+$0x0], $0xffff;
	_ =	sdelay $0x1  }
0x10e: {  	vm2 =	vlt.f32 v10, v6  }
0x10f: {  	vm3 =	vlt.f32 v11, v7  }
0x110: {  	vm10 =	vlt.f32 v12, v9  }
0x111: {  	vm11 =	vlt.f32 v13, v8;
	_ =	sdelay $0x2  }
0x112: {  	[tilespmem:v4+s24+$0x0] =	vst.idx.msk vm2, v6  }
0x113: {  	[tilespmem:v4+s25+$0x0] =	vst.idx.msk vm3, v7  }
0x114: {  	[tilespmem:v4+s26+$0x0] =	vst.idx.msk vm10, v9  }
0x115: {  	[tilespmem:v4+s28+$0x0] =	vst.idx.msk vm11, v8  }
0x116: {  	v6 =	vld [tilespmem:s15+$0xFFFFFFF0];
	_ =	sdelay $0x1  }
0x117: {  	v8 =	vld [tilespmem:s15+$0x0]  }
0x118: {  	(xrf1) =	vunique.msk.u32 $0xffff, v3;
	v3 =	vld [tilespmem:s5+$0xFFFFFFF0]  }
0x119: {  	(xrf1) =	vunique.msk.u32 $0xffff, v4;
	v4 =	vld [tilespmem:s5+$0x0]  }
0x11a: {  	v49 =	vld.idx.msk [tilespmem:v18+s20+$0x0], $0xffff;
	v9 =	vadd.s32 $0x4E20, v6  }
0x11b: {  	v50 =	vld.idx.msk [tilespmem:v18+s21+$0x0], $0xffff  }
0x11c: {  	v51 =	vld.idx.msk [tilespmem:v18+s22+$0x0], $0xffff;
	v7 =	vadd.s32 $0x2710, v6  }
0x11d: {  	v52 =	vld.idx.msk [tilespmem:v18+s23+$0x0], $0xffff;
	v13 =	vadd.s32 $0x7530, v6  }
0x11e: {  	v48 =	vadd.s32 $0x2710, v8;
	v10 =	vld.idx.msk [tilespmem:v6+s3+$0x0], $0xffff  }
0x11f: {  	v12 =	vld.idx.msk [tilespmem:v9+s3+$0x0], $0xffff;
	v9 =	vadd.s32 $0x4E20, v8  }
0x120: {  	v6 =	vld.idx.msk [tilespmem:v8+s3+$0x0], $0xffff;
	v8 =	vadd.s32 $0x7530, v8  }
0x121: {  	v11 =	vld.idx.msk [tilespmem:v7+s3+$0x0], $0xffff  }
0x122: {  	v13 =	vld.idx.msk [tilespmem:v13+s3+$0x0], $0xffff  }
0x123: {  	v7 =	vld.idx.msk [tilespmem:v48+s3+$0x0], $0xffff  }
0x124: {  	v14 =	vmax.f32 v49, v14;
	v9 =	vld.idx.msk [tilespmem:v9+s3+$0x0], $0xffff  }
0x125: {  	v16 =	vmax.f32 v50, v16;
	v8 =	vld.idx.msk [tilespmem:v8+s3+$0x0], $0xffff;
	[tilespmem:v18+s20+$0x0] =	vst.idx.msk $0xffff, v14  }
0x126: {  	v17 =	vmax.f32 v51, v17;
	[tilespmem:v18+s21+$0x0] =	vst.idx.msk $0xffff, v16  }
0x127: {  	v19 =	vmax.f32 v52, v19;
	[tilespmem:v18+s22+$0x0] =	vst.idx.msk $0xffff, v17  }
0x128: {  	[tilespmem:v18+s23+$0x0] =	vst.idx.msk $0xffff, v19  }
0x129: {  	v53 =	vld.idx.msk [tilespmem:v18+s20+$0x0], $0xffff  }
0x12a: {  	v54 =	vld.idx.msk [tilespmem:v18+s21+$0x0], $0xffff  }
0x12b: {  	v55 =	vld.idx.msk [tilespmem:v18+s22+$0x0], $0xffff  }
0x12c: {  	v56 =	vld.idx.msk [tilespmem:v18+s23+$0x0], $0xffff;
	_ =	sdelay $0x1  }
0x12d: {  	vm2 =	vlt.f32 v53, v14  }
0x12e: {  	vm3 =	vlt.f32 v54, v16  }
0x12f: {  	vm12 =	vlt.f32 v55, v17  }
0x130: {  	vm13 =	vlt.f32 v56, v19;
	_ =	sdelay $0x2  }
0x131: {  	[tilespmem:v18+s20+$0x0] =	vst.idx.msk vm2, v14  }
0x132: {  	[tilespmem:v18+s21+$0x0] =	vst.idx.msk vm3, v16  }
0x133: {  	[tilespmem:v18+s22+$0x0] =	vst.idx.msk vm12, v17  }
0x134: {  	[tilespmem:v18+s23+$0x0] =	vst.idx.msk vm13, v19  }
0x135: {  	v14 =	vld.idx.msk [tilespmem:v5+s24+$0x0], $0xffff  }
0x136: {  	v16 =	vld.idx.msk [tilespmem:v5+s25+$0x0], $0xffff  }
0x137: {  	v17 =	vld.idx.msk [tilespmem:v5+s26+$0x0], $0xffff  }
0x138: {  	v19 =	vld.idx.msk [tilespmem:v5+s28+$0x0], $0xffff;
	_ =	sdelay $0x1  }
0x139: {  	v14 =	vmax.f32 v14, v21  }
0x13a: {  	(xrf1) =	vunique.msk.u32 $0xffff, v18;
	v16 =	vmax.f32 v16, v20;
	[tilespmem:v5+s24+$0x0] =	vst.idx.msk $0xffff, v14  }
0x13b: {  	(xrf1) =	vunique.msk.u32 $0xffff, v5;
	v17 =	vmax.f32 v17, v22;
	[tilespmem:v5+s25+$0x0] =	vst.idx.msk $0xffff, v16  }
0x13c: {  	v15 =	vmax.f32 v19, v15;
	[tilespmem:v5+s26+$0x0] =	vst.idx.msk $0xffff, v17  }
0x13d: {  	[tilespmem:v5+s28+$0x0] =	vst.idx.msk $0xffff, v15  }
0x13e: {  	v57 =	vld.idx.msk [tilespmem:v5+s24+$0x0], $0xffff  }
0x13f: {  	v58 =	vld.idx.msk [tilespmem:v5+s25+$0x0], $0xffff  }
0x140: {  	v59 =	vld.idx.msk [tilespmem:v5+s26+$0x0], $0xffff  }
0x141: {  	v60 =	vld.idx.msk [tilespmem:v5+s28+$0x0], $0xffff;
	_ =	sdelay $0x1  }
0x142: {  	vm2 =	vlt.f32 v57, v14  }
0x143: {  	vm3 =	vlt.f32 v58, v16  }
0x144: {  	vm14 =	vlt.f32 v59, v17  }
0x145: {  	s14 =	sadd.s32 $0x2, s14;
	_, v61, _ =	vpop (xrf1);
	vm15 =	vlt.f32 v60, v15  }
0x146: {  	p1 =	slt.u32 s14, $0x30;
	_, v62, _ =	vpop (xrf1)  }
.Ltmp3:
0x147: {  	vm6 =	vge.s32 v61, v0;
	vm7 =	vge.s32 v62, v0;
	_, v63, _ =	vpop (xrf1);
	(pc) =	sbr.rel @p1 .LBB2_15-.Ltmp3, $4  }
0x148: {  	vm6 =	vmor vm6, vm7;
	[tilespmem:v5+s24+$0x0] =	vst.idx.msk vm2, v14;
	vm2 =	vge.s32 v63, v0;
	_, v14, _ =	vpop (xrf1)  }
0x149: {  	vm2 =	vmor vm6, vm2;
	[tilespmem:v5+s25+$0x0] =	vst.idx.msk vm3, v16;
	vm3 =	vge.s32 v14, v0  }
0x14a: {  	[tilespmem:v5+s26+$0x0] =	vst.idx.msk vm14, v17;
	vm2 =	vmor vm2, vm3  }
0x14b: {  	s4 =	sadd.s32 $0x40, s4;
	s15 =	sadd.s32 $0x40, s15;
	s5 =	sadd.s32 $0x40, s5;
	[tilespmem:v5+s28+$0x0] =	vst.idx.msk vm15, v15;
	vm1 =	vmor vm1, vm2  }
0x14c: {  	v3 =	vsel vm1, $0x3F800000, v1  }
0x14d: {  	(xrf0) =	vmax.scan.msk.f32 $0xffff, v3;
	_ =	sdelay $0x5  }
0x14e: {  	v3, _, _ =	vpop (xrf0)  }
0x14f: {  	(v2sf) =	vpush v3, $0xF;
	_ =	sdelay $0xe  }
0x150: {  	s4 =	spop (v2sf)  }
0x151: {  	p1 =	sgt.f32 s4, $0.0e+00  }
.Ltmp4:
0x152: {  	_ = 	snop;
	(pc) =	sbr.rel @p1 .LBB2_17-.Ltmp4, $2  }
0x153: {  	_ =	sdelay $0x2  }
0x154: {  	s4 =	simm.s32 $0x0  }
.LBB2_24:
.Ltmp5:
0x155: {  	(pc) =	sbr.rel @p0 .LBB2_26-.Ltmp5, $1  }
0x156: {  	_ =	sdelay $0x3  }
0x157: {  	s4 =	smul.u32 $0xC80, s0;
	_ =	sdelay $0x1  }
0x158: {  	s4 =	sshrl.u32 s4, $0x3  }
.Ltmp6:
0x159: {  	s4 =	sadd.s32 $0x258, s4;
	(pc) =	sbr.rel .LBB2_4-.Ltmp6, $4  }
0x15a: {  	s5 =	sadd.s32 s1, s4  }
0x15b: {  	[tilespmem:s16], [sflag:$0x2] =	stream.linear.gather [hbm4b:s5+s3], $0x640, $0x38;
	[tilespmem:$0x1F280] =	vst v63  }
0x15c: {  	s0 =	sadd.s32 $0x1, s0;
	s4 =	sadd.s32 s2, s4  }
0x15d: {  	[tilespmem:s17], [sflag:$0x4] =	stream.linear.gather [hbm4b:s4+s3], $0x640, $0x38;
	[tilespmem:$0x1F280] =	vst v63  }
.LBB2_9:
0x15e: {  	s4 =	sadd.s32 $0x1, s4  }
0x15f: {  	p0 =	sne.s32 s4, $0x32  }
.Ltmp7:
0x160: {  	_ = 	snop;
	(pc) =	sbr.rel @!p0 .LBB2_10-.Ltmp7, $1  }
0x161: {  	_ =	sdelay $0x3  }
.LBB2_7:
0x162: {  	s5 =	sshll.u32 s4, $0x5  }
0x163: {  	v6 =	vld [tilespmem:s5+$0x1D880]  }
0x164: {  	v3 =	vld [tilespmem:s5+$0x1E580];
	_ =	sdelay $0x6  }
0x165: {  	v4 =	vld.idx.msk [tilespmem:v6+s3+$0x0], $0xffff  }
0x166: {  	v5 =	vld.idx.msk [tilespmem:v3+s20+$0x0], $0xffff;
	_ =	sdelay $0x1  }
0x167: {  	v7 =	vadd.s32 $0x2710, v6;
	_ =	sdelay $0x2  }
0x168: {  	v4 =	vmax.f32 v5, v4  }
0x169: {  	[tilespmem:v3+s20+$0x0] =	vst.idx.msk $0xffff, v4  }
0x16a: {  	v5 =	vld.idx.msk [tilespmem:v7+s3+$0x0], $0xffff  }
0x16b: {  	v7 =	vld.idx.msk [tilespmem:v3+s21+$0x0], $0xffff;
	_ =	sdelay $0x1  }
0x16c: {  	v8 =	vadd.s32 $0x4E20, v6;
	_ =	sdelay $0x2  }
0x16d: {  	v5 =	vmax.f32 v7, v5  }
0x16e: {  	v9 =	vld.idx.msk [tilespmem:v3+s20+$0x0], $0xffff;
	[tilespmem:v3+s21+$0x0] =	vst.idx.msk $0xffff, v5  }
0x16f: {  	v7 =	vld.idx.msk [tilespmem:v8+s3+$0x0], $0xffff  }
0x170: {  	v8 =	vld.idx.msk [tilespmem:v3+s22+$0x0], $0xffff;
	_ =	sdelay $0x1  }
0x171: {  	v10 =	vadd.s32 $0x7530, v6;
	_ =	sdelay $0x2  }
0x172: {  	v6 =	vmax.f32 v8, v7  }
0x173: {  	v11 =	vld.idx.msk [tilespmem:v3+s21+$0x0], $0xffff;
	[tilespmem:v3+s22+$0x0] =	vst.idx.msk $0xffff, v6  }
0x174: {  	v7 =	vld.idx.msk [tilespmem:v10+s3+$0x0], $0xffff  }
0x175: {  	v8 =	vld.idx.msk [tilespmem:v3+s23+$0x0], $0xffff;
	_ =	sdelay $0x4  }
0x176: {  	v7 =	vmax.f32 v8, v7  }
0x177: {  	v63 =	vld.idx.msk [tilespmem:v3+s22+$0x0], $0xffff;
	[tilespmem:v3+s23+$0x0] =	vst.idx.msk $0xffff, v7  }
0x178: {  	v8 =	vld.idx.msk [tilespmem:v3+s23+$0x0], $0xffff;
	_ =	sdelay $0x2  }
0x179: {  	vm1 =	vlt.f32 v9, v4;
	vm2 =	vlt.f32 v11, v5  }
0x17a: {  	vm5 =	vmor vm1, vm2;
	vm3 =	vlt.f32 v63, v6  }
0x17b: {  	vm5 =	vmor vm5, vm3;
	vm4 =	vlt.f32 v8, v7  }
0x17c: {  	vm5 =	vmor vm5, vm4  }
0x17d: {  	v8 =	vsel vm5, $0x3F800000, v1  }
0x17e: {  	(xrf0) =	vmax.scan.msk.f32 $0xffff, v8;
	_ =	sdelay $0x5  }
0x17f: {  	v8, _, _ =	vpop (xrf0)  }
0x180: {  	(v2sf) =	vpush v8, $0xF;
	_ =	sdelay $0xe  }
0x181: {  	s15 =	spop (v2sf)  }
0x182: {  	p0 =	sgt.f32 s15, $0.0e+00  }
.Ltmp8:
0x183: {  	_ = 	snop;
	(pc) =	sbr.rel @!p0 .LBB2_9-.Ltmp8, $1  }
0x184: {  	_ =	sdelay $0x3  }
.LBB2_8:
0x185: {  	[tilespmem:v3+s20+$0x0] =	vst.idx.msk vm1, v4  }
0x186: {  	v8 =	vld.idx.msk [tilespmem:v3+s20+$0x0], $0xffff;
	[tilespmem:v3+s21+$0x0] =	vst.idx.msk vm2, v5  }
0x187: {  	v9 =	vld.idx.msk [tilespmem:v3+s21+$0x0], $0xffff;
	[tilespmem:v3+s22+$0x0] =	vst.idx.msk vm3, v6  }
0x188: {  	v10 =	vld.idx.msk [tilespmem:v3+s22+$0x0], $0xffff;
	[tilespmem:v3+s23+$0x0] =	vst.idx.msk vm4, v7  }
0x189: {  	v11 =	vld.idx.msk [tilespmem:v3+s23+$0x0], $0xffff;
	_ =	sdelay $0x2  }
0x18a: {  	vm5 =	vlt.f32 v8, v4;
	vm6 =	vlt.f32 v9, v5  }
0x18b: {  	vm1 =	vmand vm1, vm5;
	vm5 =	vlt.f32 v10, v6;
	vm2 =	vmand vm2, vm6  }
0x18c: {  	vm3 =	vmand vm3, vm5;
	vm5 =	vlt.f32 v11, v7;
	vm6 =	vmor vm1, vm2  }
0x18d: {  	vm4 =	vmand vm4, vm5;
	vm5 =	vmor vm6, vm3  }
0x18e: {  	vm5 =	vmor vm5, vm4  }
0x18f: {  	v8 =	vsel vm5, $0x3F800000, v1  }
0x190: {  	(xrf0) =	vmax.scan.msk.f32 $0xffff, v8;
	_ =	sdelay $0x5  }
0x191: {  	v8, _, _ =	vpop (xrf0)  }
0x192: {  	(v2sf) =	vpush v8, $0xF;
	_ =	sdelay $0xe  }
0x193: {  	s5 =	spop (v2sf)  }
0x194: {  	p0 =	sgt.f32 s5, $0.0e+00  }
.Ltmp9:
0x195: {  	_ = 	snop;
	(pc) =	sbr.rel @p0 .LBB2_8-.Ltmp9, $1  }
0x196: {  	_ =	sdelay $0x3  }
.Ltmp10:
0x197: {  	_ = 	snop;
	(pc) =	sbr.rel .LBB2_9-.Ltmp10, $1  }
0x198: {  	_ =	sdelay $0x3  }
.LBB2_19:
0x199: {  	s4 =	sadd.s32 $0x1, s4  }
0x19a: {  	p1 =	sne.s32 s4, $0x32  }
.Ltmp11:
0x19b: {  	_ = 	snop;
	(pc) =	sbr.rel @!p1 .LBB2_20-.Ltmp11, $1  }
0x19c: {  	_ =	sdelay $0x3  }
.LBB2_17:
0x19d: {  	s5 =	sshll.u32 s4, $0x5  }
0x19e: {  	v6 =	vld [tilespmem:s5+$0x1DEE0]  }
0x19f: {  	v3 =	vld [tilespmem:s5+$0x1EBE0];
	_ =	sdelay $0x6  }
0x1a0: {  	v4 =	vld.idx.msk [tilespmem:v6+s3+$0x0], $0xffff  }
0x1a1: {  	v5 =	vld.idx.msk [tilespmem:v3+s20+$0x0], $0xffff;
	_ =	sdelay $0x1  }
0x1a2: {  	v7 =	vadd.s32 $0x2710, v6;
	_ =	sdelay $0x2  }
0x1a3: {  	v4 =	vmax.f32 v5, v4  }
0x1a4: {  	[tilespmem:v3+s20+$0x0] =	vst.idx.msk $0xffff, v4  }
0x1a5: {  	v5 =	vld.idx.msk [tilespmem:v7+s3+$0x0], $0xffff  }
0x1a6: {  	v7 =	vld.idx.msk [tilespmem:v3+s21+$0x0], $0xffff;
	_ =	sdelay $0x1  }
0x1a7: {  	v8 =	vadd.s32 $0x4E20, v6;
	_ =	sdelay $0x2  }
0x1a8: {  	v5 =	vmax.f32 v7, v5  }
0x1a9: {  	v9 =	vld.idx.msk [tilespmem:v3+s20+$0x0], $0xffff;
	[tilespmem:v3+s21+$0x0] =	vst.idx.msk $0xffff, v5  }
0x1aa: {  	v7 =	vld.idx.msk [tilespmem:v8+s3+$0x0], $0xffff  }
0x1ab: {  	v8 =	vld.idx.msk [tilespmem:v3+s22+$0x0], $0xffff;
	_ =	sdelay $0x1  }
0x1ac: {  	v10 =	vadd.s32 $0x7530, v6;
	_ =	sdelay $0x2  }
0x1ad: {  	v6 =	vmax.f32 v8, v7  }
0x1ae: {  	v11 =	vld.idx.msk [tilespmem:v3+s21+$0x0], $0xffff;
	[tilespmem:v3+s22+$0x0] =	vst.idx.msk $0xffff, v6  }
0x1af: {  	v7 =	vld.idx.msk [tilespmem:v10+s3+$0x0], $0xffff  }
0x1b0: {  	v8 =	vld.idx.msk [tilespmem:v3+s23+$0x0], $0xffff;
	_ =	sdelay $0x4  }
0x1b1: {  	v7 =	vmax.f32 v8, v7  }
0x1b2: {  	v63 =	vld.idx.msk [tilespmem:v3+s22+$0x0], $0xffff;
	[tilespmem:v3+s23+$0x0] =	vst.idx.msk $0xffff, v7  }
0x1b3: {  	v8 =	vld.idx.msk [tilespmem:v3+s23+$0x0], $0xffff;
	_ =	sdelay $0x2  }
0x1b4: {  	vm1 =	vlt.f32 v9, v4;
	vm2 =	vlt.f32 v11, v5  }
0x1b5: {  	vm5 =	vmor vm1, vm2;
	vm3 =	vlt.f32 v63, v6  }
0x1b6: {  	vm5 =	vmor vm5, vm3;
	vm4 =	vlt.f32 v8, v7  }
0x1b7: {  	vm5 =	vmor vm5, vm4  }
0x1b8: {  	v8 =	vsel vm5, $0x3F800000, v1  }
0x1b9: {  	(xrf0) =	vmax.scan.msk.f32 $0xffff, v8;
	_ =	sdelay $0x5  }
0x1ba: {  	v8, _, _ =	vpop (xrf0)  }
0x1bb: {  	(v2sf) =	vpush v8, $0xF;
	_ =	sdelay $0xe  }
0x1bc: {  	s15 =	spop (v2sf)  }
0x1bd: {  	p1 =	sgt.f32 s15, $0.0e+00  }
.Ltmp12:
0x1be: {  	_ = 	snop;
	(pc) =	sbr.rel @!p1 .LBB2_19-.Ltmp12, $1  }
0x1bf: {  	_ =	sdelay $0x3  }
.LBB2_18:
0x1c0: {  	[tilespmem:v3+s20+$0x0] =	vst.idx.msk vm1, v4  }
0x1c1: {  	v8 =	vld.idx.msk [tilespmem:v3+s20+$0x0], $0xffff;
	[tilespmem:v3+s21+$0x0] =	vst.idx.msk vm2, v5  }
0x1c2: {  	v9 =	vld.idx.msk [tilespmem:v3+s21+$0x0], $0xffff;
	[tilespmem:v3+s22+$0x0] =	vst.idx.msk vm3, v6  }
0x1c3: {  	v10 =	vld.idx.msk [tilespmem:v3+s22+$0x0], $0xffff;
	[tilespmem:v3+s23+$0x0] =	vst.idx.msk vm4, v7  }
0x1c4: {  	v11 =	vld.idx.msk [tilespmem:v3+s23+$0x0], $0xffff;
	_ =	sdelay $0x2  }
0x1c5: {  	vm5 =	vlt.f32 v8, v4;
	vm6 =	vlt.f32 v9, v5  }
0x1c6: {  	vm1 =	vmand vm1, vm5;
	vm5 =	vlt.f32 v10, v6;
	vm2 =	vmand vm2, vm6  }
0x1c7: {  	vm3 =	vmand vm3, vm5;
	vm5 =	vlt.f32 v11, v7;
	vm6 =	vmor vm1, vm2  }
0x1c8: {  	vm4 =	vmand vm4, vm5;
	vm5 =	vmor vm6, vm3  }
0x1c9: {  	vm5 =	vmor vm5, vm4  }
0x1ca: {  	v8 =	vsel vm5, $0x3F800000, v1  }
0x1cb: {  	(xrf0) =	vmax.scan.msk.f32 $0xffff, v8;
	_ =	sdelay $0x5  }
0x1cc: {  	v8, _, _ =	vpop (xrf0)  }
0x1cd: {  	(v2sf) =	vpush v8, $0xF;
	_ =	sdelay $0xe  }
0x1ce: {  	s5 =	spop (v2sf)  }
0x1cf: {  	p1 =	sgt.f32 s5, $0.0e+00  }
.Ltmp13:
0x1d0: {  	_ = 	snop;
	(pc) =	sbr.rel @p1 .LBB2_18-.Ltmp13, $1  }
0x1d1: {  	_ =	sdelay $0x3  }
.Ltmp14:
0x1d2: {  	_ = 	snop;
	(pc) =	sbr.rel .LBB2_19-.Ltmp14, $1  }
0x1d3: {  	_ =	sdelay $0x3  }
.LBB2_10:
.Ltmp15:
0x1d4: {  	(pc) =	sbr.rel .LBB2_11-.Ltmp15, $2  }
0x1d5: {  	_ =	sdelay $0x2  }
0x1d6: {  	s4 =	simm.s32 $0x0  }
.LBB2_13:
0x1d7: {  	s4 =	sadd.s32 $0x1, s4  }
0x1d8: {  	p0 =	sne.s32 s4, $0x32  }
.Ltmp16:
0x1d9: {  	_ = 	snop;
	(pc) =	sbr.rel @!p0 .LBB2_14-.Ltmp16, $1  }
0x1da: {  	_ =	sdelay $0x3  }
.LBB2_11:
0x1db: {  	s5 =	sshll.u32 s4, $0x5  }
0x1dc: {  	v6 =	vld [tilespmem:s5+$0x1D890]  }
0x1dd: {  	v3 =	vld [tilespmem:s5+$0x1E590];
	_ =	sdelay $0x6  }
0x1de: {  	v4 =	vld.idx.msk [tilespmem:v6+s3+$0x0], $0xffff  }
0x1df: {  	v5 =	vld.idx.msk [tilespmem:v3+s24+$0x0], $0xffff;
	_ =	sdelay $0x1  }
0x1e0: {  	v7 =	vadd.s32 $0x2710, v6;
	_ =	sdelay $0x2  }
0x1e1: {  	v4 =	vmax.f32 v5, v4  }
0x1e2: {  	[tilespmem:v3+s24+$0x0] =	vst.idx.msk $0xffff, v4  }
0x1e3: {  	v5 =	vld.idx.msk [tilespmem:v7+s3+$0x0], $0xffff  }
0x1e4: {  	v7 =	vld.idx.msk [tilespmem:v3+s25+$0x0], $0xffff;
	_ =	sdelay $0x1  }
0x1e5: {  	v8 =	vadd.s32 $0x4E20, v6;
	_ =	sdelay $0x2  }
0x1e6: {  	v5 =	vmax.f32 v7, v5  }
0x1e7: {  	v9 =	vld.idx.msk [tilespmem:v3+s24+$0x0], $0xffff;
	[tilespmem:v3+s25+$0x0] =	vst.idx.msk $0xffff, v5  }
0x1e8: {  	v7 =	vld.idx.msk [tilespmem:v8+s3+$0x0], $0xffff  }
0x1e9: {  	v8 =	vld.idx.msk [tilespmem:v3+s26+$0x0], $0xffff;
	_ =	sdelay $0x1  }
0x1ea: {  	v10 =	vadd.s32 $0x7530, v6;
	_ =	sdelay $0x2  }
0x1eb: {  	v6 =	vmax.f32 v8, v7  }
0x1ec: {  	v11 =	vld.idx.msk [tilespmem:v3+s25+$0x0], $0xffff;
	[tilespmem:v3+s26+$0x0] =	vst.idx.msk $0xffff, v6  }
0x1ed: {  	v7 =	vld.idx.msk [tilespmem:v10+s3+$0x0], $0xffff  }
0x1ee: {  	v8 =	vld.idx.msk [tilespmem:v3+s28+$0x0], $0xffff;
	_ =	sdelay $0x4  }
0x1ef: {  	v7 =	vmax.f32 v8, v7  }
0x1f0: {  	v63 =	vld.idx.msk [tilespmem:v3+s26+$0x0], $0xffff;
	[tilespmem:v3+s28+$0x0] =	vst.idx.msk $0xffff, v7  }
0x1f1: {  	v8 =	vld.idx.msk [tilespmem:v3+s28+$0x0], $0xffff;
	_ =	sdelay $0x2  }
0x1f2: {  	vm1 =	vlt.f32 v9, v4;
	vm2 =	vlt.f32 v11, v5  }
0x1f3: {  	vm5 =	vmor vm1, vm2;
	vm3 =	vlt.f32 v63, v6  }
0x1f4: {  	vm5 =	vmor vm5, vm3;
	vm4 =	vlt.f32 v8, v7  }
0x1f5: {  	vm5 =	vmor vm5, vm4  }
0x1f6: {  	v8 =	vsel vm5, $0x3F800000, v1  }
0x1f7: {  	(xrf0) =	vmax.scan.msk.f32 $0xffff, v8;
	_ =	sdelay $0x5  }
0x1f8: {  	v8, _, _ =	vpop (xrf0)  }
0x1f9: {  	(v2sf) =	vpush v8, $0xF;
	_ =	sdelay $0xe  }
0x1fa: {  	s15 =	spop (v2sf)  }
0x1fb: {  	p0 =	sgt.f32 s15, $0.0e+00  }
.Ltmp17:
0x1fc: {  	_ = 	snop;
	(pc) =	sbr.rel @!p0 .LBB2_13-.Ltmp17, $1  }
0x1fd: {  	_ =	sdelay $0x3  }
.LBB2_12:
0x1fe: {  	[tilespmem:v3+s24+$0x0] =	vst.idx.msk vm1, v4  }
0x1ff: {  	v8 =	vld.idx.msk [tilespmem:v3+s24+$0x0], $0xffff;
	[tilespmem:v3+s25+$0x0] =	vst.idx.msk vm2, v5  }
0x200: {  	v9 =	vld.idx.msk [tilespmem:v3+s25+$0x0], $0xffff;
	[tilespmem:v3+s26+$0x0] =	vst.idx.msk vm3, v6  }
0x201: {  	v10 =	vld.idx.msk [tilespmem:v3+s26+$0x0], $0xffff;
	[tilespmem:v3+s28+$0x0] =	vst.idx.msk vm4, v7  }
0x202: {  	v11 =	vld.idx.msk [tilespmem:v3+s28+$0x0], $0xffff;
	_ =	sdelay $0x2  }
0x203: {  	vm5 =	vlt.f32 v8, v4;
	vm6 =	vlt.f32 v9, v5  }
0x204: {  	vm1 =	vmand vm1, vm5;
	vm5 =	vlt.f32 v10, v6;
	vm2 =	vmand vm2, vm6  }
0x205: {  	vm3 =	vmand vm3, vm5;
	vm5 =	vlt.f32 v11, v7;
	vm6 =	vmor vm1, vm2  }
0x206: {  	vm4 =	vmand vm4, vm5;
	vm5 =	vmor vm6, vm3  }
0x207: {  	vm5 =	vmor vm5, vm4  }
0x208: {  	v8 =	vsel vm5, $0x3F800000, v1  }
0x209: {  	(xrf0) =	vmax.scan.msk.f32 $0xffff, v8;
	_ =	sdelay $0x5  }
0x20a: {  	v8, _, _ =	vpop (xrf0)  }
0x20b: {  	(v2sf) =	vpush v8, $0xF;
	_ =	sdelay $0xe  }
0x20c: {  	s5 =	spop (v2sf)  }
0x20d: {  	p0 =	sgt.f32 s5, $0.0e+00  }
.Ltmp18:
0x20e: {  	_ = 	snop;
	(pc) =	sbr.rel @p0 .LBB2_12-.Ltmp18, $1  }
0x20f: {  	_ =	sdelay $0x3  }
.Ltmp19:
0x210: {  	_ = 	snop;
	(pc) =	sbr.rel .LBB2_13-.Ltmp19, $1  }
0x211: {  	_ =	sdelay $0x3  }
.LBB2_20:
.Ltmp20:
0x212: {  	(pc) =	sbr.rel .LBB2_21-.Ltmp20, $2  }
0x213: {  	_ =	sdelay $0x2  }
0x214: {  	s4 =	simm.s32 $0x0  }
.LBB2_23:
0x215: {  	s4 =	sadd.s32 $0x1, s4  }
0x216: {  	p1 =	sne.s32 s4, $0x32  }
.Ltmp21:
0x217: {  	_ = 	snop;
	(pc) =	sbr.rel @!p1 .LBB2_24-.Ltmp21, $1  }
0x218: {  	_ =	sdelay $0x3  }
.LBB2_21:
0x219: {  	s5 =	sshll.u32 s4, $0x5  }
0x21a: {  	v6 =	vld [tilespmem:s5+$0x1DEF0]  }
0x21b: {  	v3 =	vld [tilespmem:s5+$0x1EBF0];
	_ =	sdelay $0x6  }
0x21c: {  	v4 =	vld.idx.msk [tilespmem:v6+s3+$0x0], $0xffff  }
0x21d: {  	v5 =	vld.idx.msk [tilespmem:v3+s24+$0x0], $0xffff;
	_ =	sdelay $0x1  }
0x21e: {  	v7 =	vadd.s32 $0x2710, v6;
	_ =	sdelay $0x2  }
0x21f: {  	v4 =	vmax.f32 v5, v4  }
0x220: {  	[tilespmem:v3+s24+$0x0] =	vst.idx.msk $0xffff, v4  }
0x221: {  	v5 =	vld.idx.msk [tilespmem:v7+s3+$0x0], $0xffff  }
0x222: {  	v7 =	vld.idx.msk [tilespmem:v3+s25+$0x0], $0xffff;
	_ =	sdelay $0x1  }
0x223: {  	v8 =	vadd.s32 $0x4E20, v6;
	_ =	sdelay $0x2  }
0x224: {  	v5 =	vmax.f32 v7, v5  }
0x225: {  	v9 =	vld.idx.msk [tilespmem:v3+s24+$0x0], $0xffff;
	[tilespmem:v3+s25+$0x0] =	vst.idx.msk $0xffff, v5  }
0x226: {  	v7 =	vld.idx.msk [tilespmem:v8+s3+$0x0], $0xffff  }
0x227: {  	v8 =	vld.idx.msk [tilespmem:v3+s26+$0x0], $0xffff;
	_ =	sdelay $0x1  }
0x228: {  	v10 =	vadd.s32 $0x7530, v6;
	_ =	sdelay $0x2  }
0x229: {  	v6 =	vmax.f32 v8, v7  }
0x22a: {  	v11 =	vld.idx.msk [tilespmem:v3+s25+$0x0], $0xffff;
	[tilespmem:v3+s26+$0x0] =	vst.idx.msk $0xffff, v6  }
0x22b: {  	v7 =	vld.idx.msk [tilespmem:v10+s3+$0x0], $0xffff  }
0x22c: {  	v8 =	vld.idx.msk [tilespmem:v3+s28+$0x0], $0xffff;
	_ =	sdelay $0x4  }
0x22d: {  	v7 =	vmax.f32 v8, v7  }
0x22e: {  	v63 =	vld.idx.msk [tilespmem:v3+s26+$0x0], $0xffff;
	[tilespmem:v3+s28+$0x0] =	vst.idx.msk $0xffff, v7  }
0x22f: {  	v8 =	vld.idx.msk [tilespmem:v3+s28+$0x0], $0xffff;
	_ =	sdelay $0x2  }
0x230: {  	vm1 =	vlt.f32 v9, v4;
	vm2 =	vlt.f32 v11, v5  }
0x231: {  	vm5 =	vmor vm1, vm2;
	vm3 =	vlt.f32 v63, v6  }
0x232: {  	vm5 =	vmor vm5, vm3;
	vm4 =	vlt.f32 v8, v7  }
0x233: {  	vm5 =	vmor vm5, vm4  }
0x234: {  	v8 =	vsel vm5, $0x3F800000, v1  }
0x235: {  	(xrf0) =	vmax.scan.msk.f32 $0xffff, v8;
	_ =	sdelay $0x5  }
0x236: {  	v8, _, _ =	vpop (xrf0)  }
0x237: {  	(v2sf) =	vpush v8, $0xF;
	_ =	sdelay $0xe  }
0x238: {  	s15 =	spop (v2sf)  }
0x239: {  	p1 =	sgt.f32 s15, $0.0e+00  }
.Ltmp22:
0x23a: {  	_ = 	snop;
	(pc) =	sbr.rel @!p1 .LBB2_23-.Ltmp22, $1  }
0x23b: {  	_ =	sdelay $0x3  }
.LBB2_22:
0x23c: {  	[tilespmem:v3+s24+$0x0] =	vst.idx.msk vm1, v4  }
0x23d: {  	v8 =	vld.idx.msk [tilespmem:v3+s24+$0x0], $0xffff;
	[tilespmem:v3+s25+$0x0] =	vst.idx.msk vm2, v5  }
0x23e: {  	v9 =	vld.idx.msk [tilespmem:v3+s25+$0x0], $0xffff;
	[tilespmem:v3+s26+$0x0] =	vst.idx.msk vm3, v6  }
0x23f: {  	v10 =	vld.idx.msk [tilespmem:v3+s26+$0x0], $0xffff;
	[tilespmem:v3+s28+$0x0] =	vst.idx.msk vm4, v7  }
0x240: {  	v11 =	vld.idx.msk [tilespmem:v3+s28+$0x0], $0xffff;
	_ =	sdelay $0x2  }
0x241: {  	vm5 =	vlt.f32 v8, v4;
	vm6 =	vlt.f32 v9, v5  }
0x242: {  	vm1 =	vmand vm1, vm5;
	vm5 =	vlt.f32 v10, v6;
	vm2 =	vmand vm2, vm6  }
0x243: {  	vm3 =	vmand vm3, vm5;
	vm5 =	vlt.f32 v11, v7;
	vm6 =	vmor vm1, vm2  }
0x244: {  	vm4 =	vmand vm4, vm5;
	vm5 =	vmor vm6, vm3  }
0x245: {  	vm5 =	vmor vm5, vm4  }
0x246: {  	v8 =	vsel vm5, $0x3F800000, v1  }
0x247: {  	(xrf0) =	vmax.scan.msk.f32 $0xffff, v8;
	_ =	sdelay $0x5  }
0x248: {  	v8, _, _ =	vpop (xrf0)  }
0x249: {  	(v2sf) =	vpush v8, $0xF;
	_ =	sdelay $0xe  }
0x24a: {  	s5 =	spop (v2sf)  }
0x24b: {  	p1 =	sgt.f32 s5, $0.0e+00  }
.Ltmp23:
0x24c: {  	_ = 	snop;
	(pc) =	sbr.rel @p1 .LBB2_22-.Ltmp23, $1  }
0x24d: {  	_ =	sdelay $0x3  }
.Ltmp24:
0x24e: {  	_ = 	snop;
	(pc) =	sbr.rel .LBB2_23-.Ltmp24, $1  }
0x24f: {  	_ =	sdelay $0x3  }
.LBB2_26:
0x250: {  	s0 =	simm.s32 $0x0  }
0x251: {  	v8 =	vld [tilespmem:s0+$0x13A80]  }
0x252: {  	v9 =	vld [tilespmem:s0+$0x16200]  }
0x253: {  	v3 =	vld [tilespmem:s0+$0x18980]  }
0x254: {  	v4 =	vld [tilespmem:s0+$0x1B100]  }
0x255: {  	v7 =	vld [tilespmem:s0+$0x9C80]  }
0x256: {  	v5 =	vld [tilespmem:s0+$0xC400]  }
0x257: {  	s4 =	simm.s32 $0x40;
	v6 =	vld [tilespmem:s0+$0xEB80]  }
.LBB2_27:
0x258: {  	s5 =	sshra.s32 s4, $0x2;
	p0 =	sne.s32 s4, $0x9C00;
	v10 =	vld [tilespmem:s0+$0x11300];
	v11 =	vmov v3  }
0x259: {  	v12 =	vld [tilespmem:s5+$0x13A80];
	v13 =	vmov v4  }
0x25a: {  	v14 =	vld [tilespmem:s5+$0x16200];
	v4 =	vmax.f32 v7, v8  }
.Ltmp25:
0x25b: {  	v3 =	vld [tilespmem:s5+$0x18980];
	[tilespmem:s0+$0x9C80] =	vst v4;
	v5 =	vmax.f32 v5, v9;
	(pc) =	sbr.rel @p0 .LBB2_27-.Ltmp25, $4  }
0x25c: {  	v4 =	vld [tilespmem:s5+$0x1B100];
	[tilespmem:s0+$0xC400] =	vst v5;
	v5 =	vmax.f32 v6, v11  }
0x25d: {  	v7 =	vld [tilespmem:s5+$0x9C80];
	[tilespmem:s0+$0xEB80] =	vst v5;
	v6 =	vmax.f32 v10, v13  }
0x25e: {  	v5 =	vld [tilespmem:s5+$0xC400];
	[tilespmem:s0+$0x11300] =	vst v6;
	v8 =	vmov v12;
	s0 =	smov.u32 s5  }
0x25f: {  	s4 =	sadd.s32 $0x40, s4;
	v6 =	vld [tilespmem:s0+$0xEB80];
	v9 =	vmov v14  }
0x260: {  	v10 =	vld [tilespmem:s0+$0x11300];
	_ =	sdelay $0x1  }
0x261: {  	v7 =	vmax.f32 v7, v8  }
0x262: {  	[tilespmem:s0+$0x9C80] =	vst v7;
	v5 =	vmax.f32 v5, v9  }
0x263: {  	[tilespmem:s0+$0xC400] =	vst v5;
	v3 =	vmax.f32 v6, v3  }
0x264: {  	[tilespmem:s0+$0xEB80] =	vst v3;
	v3 =	vmax.f32 v10, v4  }
0x265: {  	[tilespmem:s0+$0x11300] =	vst v3  }
0x266: {  	[hbm4b:s8+s3] =	stream.linear.scatter [tilespmem:s20], [sflag:$0x5], $0x2710, $0x38;
	[tilespmem:$0x1F280] =	vst v63  }
0x267: {  	_ =	swait.ge [sflag:s13], $0x2710  }
0x268: {  	[sflag:s13] =	ssyncset.done $0x0  }
0x269: {  	[sflag:s13] =	ssyncadd.s32 $0xFFFFD8F0  }
0x26a: {  	[hbm4b:s9+s3] =	stream.linear.scatter [tilespmem:s21], [sflag:$0x5], $0x2710, $0x38;
	[tilespmem:$0x1F280] =	vst v63  }
0x26b: {  	_ =	swait.ge [sflag:s13], $0x2710  }
0x26c: {  	[sflag:s13] =	ssyncset.done $0x0  }
0x26d: {  	[sflag:s13] =	ssyncadd.s32 $0xFFFFD8F0  }
0x26e: {  	[hbm4b:s10+s3] =	stream.linear.scatter [tilespmem:s22], [sflag:$0x5], $0x2710, $0x38;
	[tilespmem:$0x1F280] =	vst v63  }
0x26f: {  	s31 =	sadd.s32 $0x1, s31;
	_ =	swait.ge [sflag:s13], $0x2710  }
0x270: {  	p0 =	sne.s32 s31, s12;
	[sflag:s13] =	ssyncset.done $0x0  }
.Ltmp26:
0x271: {  	[sflag:s13] =	ssyncadd.s32 $0xFFFFD8F0;
	(pc) =	sbr.rel @p0 .LBB2_1-.Ltmp26, $4  }
0x272: {  	[hbm4b:s11+s3] =	stream.linear.scatter [tilespmem:s23], [sflag:$0x5], $0x2710, $0x38;
	[tilespmem:$0x1F280] =	vst v63  }
0x273: {  	_ =	swait.ge [sflag:s13], $0x2710  }
0x274: {  	[sflag:s13] =	ssyncset.done $0x0  }
0x275: {  	[sflag:s13] =	ssyncadd.s32 $0xFFFFD8F0  }
0x276: {  	_ =	sfence.sel $0x180000  }
0x277: {  	[bflag:$0x0] =	sbarrier.arrive $0xFFFF  }
0x278: {  	_ =	strace $0x90000047  }
0x279: {  	s0 =	stileid.u32;
	[bflag:$0x2] =	sbarrier.arrive $0xFFFF  }
0x27a: {  	p0 =	sne.s32 s0, $0x0;
	s0 =	rddreg [dreg:$0x4]  }
0x27b: {  	s0 =	sadd.s32 @!p0 $0x100000, s0  }
0x27c: {  	[sflag:s0] =	ssyncadd.tile.s32 @!p0 $0x1;
	_ =	shalt  }
.Lfunc_end2:
_tile_overlayer_lowered:
.L_overlay_start_2:
0x27d: {  	(tag) =	ssettag $0x2  }
0x27e: {  	s0 =	rddreg [dreg:$0x0];
	s2 =	stileid.u32  }
0x27f: {  	s1 =	rddreg [dreg:$0x1];
	p0 =	sne.s32 s2, $0x0  }
0x280: {  	s3 =	rddreg [dreg:$0x2];
	[bflag:$0x3] =	sbarrier.arrive $0xFFFF;
	s2 =	simm.s32 @!p0 $0x1C05  }
0x281: {  	[timem:s3], [sflag:s2] =	dma.local @!p0 [hbm:s0], s1  }
0x282: {  	s0 =	simm.s32 @!p0 $0x5  }
0x283: {  	_ =	swait.ge @!p0 [sflag:s0], s1  }
0x284: {  	s1 =	ssub.s32 @!p0 $0x0, s1;
	[sflag:s0] =	ssyncset.done @!p0 $0x0  }
0x285: {  	[sflag:s0] =	ssyncadd.s32 @!p0 s1  }
0x286: {  	[bflag:$0x3] =	sbarrier.arrive $0xFFFF  }
0x287: {  	_ =	shalt  }

</sc_bundles>
